<compile_context>
chip_gen: v7x
topology: tpu7x:2x2x1
jax: 0.10.2.dev20260603
libtpu: 0.0.44.dev20260713+nightly
codegen_flags: <defaults>
</compile_context>

<pallas_src>
import functools

import jax
import jax.numpy as jnp
from jax import lax
from jax.experimental import pallas as pl
from jax.experimental.pallas import tpu as pltpu
from jax.experimental.pallas import tpu_sc as plsc

SEQ_LEN = 200
BATCH = 4096
EMB_DIM = 64
N_CLASSES = 16
VOCAB = 1_000_000

TOK_BLK = 32_768
PROJ_GRID = -(-VOCAB // TOK_BLK)
VOCAB_PAD = PROJ_GRID * TOK_BLK


def _proj_body(tt_ref, w_ref, d_ref, out_ref, d2_ref, pt_ref):
    pt_ref[...] = jax.lax.dot_general(
        w_ref[...], tt_ref[...],
        dimension_numbers=(((1,), (0,)), ((), ())),
        preferred_element_type=jnp.float32,
    )
    for j in range(TOK_BLK // 1024):
        m = jnp.concatenate(
            [pt_ref[:, j * 1024 + a * 128:j * 1024 + (a + 1) * 128]
             for a in range(8)], axis=0)
        out_ref[j * 128:(j + 1) * 128, :] = m.T

    @pl.when(pl.program_id(0) == PROJ_GRID - 1)
    def _():
        d = d_ref[...]
        d2_ref[...] = (d & ~1023) | ((d & 127) << 3) | ((d >> 7) & 7)


_proj = pl.pallas_call(
    _proj_body,
    grid=(PROJ_GRID,),
    in_specs=[
        pl.BlockSpec((EMB_DIM, TOK_BLK), lambda i: (0, i)),
        pl.BlockSpec((N_CLASSES, EMB_DIM), lambda i: (0, 0)),
        pl.BlockSpec((SEQ_LEN, BATCH), lambda i: (0, 0)),
    ],
    out_specs=[
        pl.BlockSpec((TOK_BLK // 8, 128), lambda i: (i, 0)),
        pl.BlockSpec((SEQ_LEN, BATCH), lambda i: (0, 0)),
    ],
    out_shape=[
        jax.ShapeDtypeStruct((VOCAB_PAD // 8, 128), jnp.float32),
        jax.ShapeDtypeStruct((SEQ_LEN, BATCH), jnp.int32),
    ],
    scratch_shapes=[pltpu.VMEM((N_CLASSES, TOK_BLK), jnp.float32)],
    compiler_params=pltpu.CompilerParams(fuse_transposed_lhs_in_matmul=True),
)

NUM_CORES = 2
NUM_SUBCORES = 16
NUM_WORKERS = NUM_CORES * NUM_SUBCORES
BPW = BATCH // NUM_WORKERS

NBUF = 8
NDMA = SEQ_LEN

_mesh = plsc.VectorSubcoreMesh(
    core_axis_name="c", subcore_axis_name="s",
    num_cores=NUM_CORES, num_subcores=NUM_SUBCORES,
)


@functools.partial(
    pl.kernel,
    out_type=jax.ShapeDtypeStruct((BATCH, N_CLASSES), jnp.float32),
    mesh=_mesh,
    compiler_params=pltpu.CompilerParams(use_tc_tiling_on_sc=False),
    scratch_types=[
        pltpu.VMEM((NDMA, BPW), jnp.int32),
        [pltpu.VMEM((BPW, N_CLASSES), jnp.float32) for _ in range(NBUF)],
        pltpu.VMEM((BPW, N_CLASSES), jnp.float32),
        pltpu.VMEM((N_CLASSES,), jnp.float32),
        [pltpu.SemaphoreType.DMA for _ in range(NBUF)],
    ],
)
def _pool(p_hbm, docs_hbm, b_hbm, out_hbm, idx_v, accs, out_v, b_v, sems):
    wid = lax.axis_index("s") * NUM_CORES + lax.axis_index("c")
    base = wid * BPW

    pltpu.sync_copy(docs_hbm.at[:, pl.ds(base, BPW)], idx_v)
    pltpu.sync_copy(b_hbm, b_v)

    def gather(j, k, add):
        idx = idx_v.at[j]
        pltpu.async_copy(p_hbm.at[idx], accs[k], sems[k], add=add)

    def wait(j, k):
        idx = idx_v.at[j]
        pltpu.make_async_copy(p_hbm.at[idx], accs[k], sems[k]).wait()

    for k in range(NBUF):
        gather(k, k, False)

    @pl.loop(1, NDMA // NBUF)
    def _(g):
        for k in range(NBUF):
            wait(NBUF * (g - 1) + k, k)
            gather(NBUF * g + k, k, True)

    for k in range(NBUF):
        wait(NDMA - NBUF + k, k)

    inv_len = 1.0 / SEQ_LEN
    bias = b_v[...]

    @pl.loop(0, BPW)
    def _(i):
        s = accs[0][i, :]
        for k in range(1, NBUF):
            s = s + accs[k][i, :]
        out_v[i, :] = s * inv_len + bias

    pltpu.sync_copy(out_v, out_hbm.at[pl.ds(base, BPW)])


@jax.jit
def kernel(docs, emb_table, W, b):
    p2, docs2 = _proj(emb_table.T, W, docs)
    p = p2.reshape(VOCAB_PAD, N_CLASSES)
    return _pool(p, docs2, b)

# --- scband reference (transcript-rebuilt; emitter-appended) ---
"""Pipeline reference for scband-cbo-wtext-classifier-86320252715835 (READ-ONLY COPY).

The authoritative reference and input builder live on the scoring server;
editing this copy changes nothing except your own understanding.
"""

import jax, jax.numpy as jnp
import numpy as np

VOCAB = 1000000
EMB_DIM = 64
N_CLASSES = 16
SEQ_LEN = 200
BATCH = 4096


def setup_inputs(seed: int = 0) -> dict:
    key = jax.random.key(seed)
    k1, k2, k3, k4 = jax.random.split(key, 4)
    docs = jax.random.randint(k1, (SEQ_LEN, BATCH), 0, VOCAB, dtype=jnp.int64 if jax.config.jax_enable_x64 else jnp.int32).astype(jnp.int32)
    emb_table = jax.random.normal(k2, (VOCAB, EMB_DIM), dtype=jnp.float32) * 0.02
    W = jax.random.normal(k3, (N_CLASSES, EMB_DIM), dtype=jnp.float32) * (1.0 / np.sqrt(EMB_DIM))
    b = jnp.zeros((N_CLASSES,), dtype=jnp.float32)
    return {"docs": docs, "emb_table": emb_table, "W": W, "b": b}


def reference(docs, emb_table, W, b):
    # nn.Embedding lookup: gather rows of the table. docs: [L, B] -> embedded: [L, B, D]
    embedded = jnp.take(emb_table, docs, axis=0)
    # CBoW: mean over the sequence (dim=0) -> [B, D]
    cbow = embedded.mean(axis=0)
    # Dropout is identity in eval/inference mode (deterministic reference)
    cbow_drop = cbow
    # Linear top layer: [B, D] @ [D, C] + [C] -> [B, C]
    scores = cbow_drop @ W.T + b
    return scores

if __name__ == "__main__":
    import jax
    _d = setup_inputs()
    print(jax.jit(kernel)(*tuple(_d.values())))

</pallas_src>

<mosaic_0001>
#map = affine_map<(d0, d1) -> (0, 0)>
#map1 = affine_map<(d0, d1) -> (0)>
module attributes {stable_mosaic.version = 14 : i64} {
  func.func @_pool(%arg0: i32, %arg1: i32, %arg2: memref<1015808x16xf32, #tpu.memory_space<hbm>>, %arg3: memref<200x4096xi32, #tpu.memory_space<hbm>>, %arg4: memref<16xf32, #tpu.memory_space<hbm>>, %arg5: memref<4096x16xf32, #tpu.memory_space<hbm>>, %arg6: memref<200x128xi32, #tpu.memory_space<vmem>>, %arg7: memref<128x16xf32, #tpu.memory_space<vmem>>, %arg8: memref<128x16xf32, #tpu.memory_space<vmem>>, %arg9: memref<128x16xf32, #tpu.memory_space<vmem>>, %arg10: memref<128x16xf32, #tpu.memory_space<vmem>>, %arg11: memref<128x16xf32, #tpu.memory_space<vmem>>, %arg12: memref<128x16xf32, #tpu.memory_space<vmem>>, %arg13: memref<128x16xf32, #tpu.memory_space<vmem>>, %arg14: memref<128x16xf32, #tpu.memory_space<vmem>>, %arg15: memref<128x16xf32, #tpu.memory_space<vmem>>, %arg16: memref<16xf32, #tpu.memory_space<vmem>>, %arg17: memref<!tpu.dma_semaphore, #tpu.memory_space<semaphore_mem>>, %arg18: memref<!tpu.dma_semaphore, #tpu.memory_space<semaphore_mem>>, %arg19: memref<!tpu.dma_semaphore, #tpu.memory_space<semaphore_mem>>, %arg20: memref<!tpu.dma_semaphore, #tpu.memory_space<semaphore_mem>>, %arg21: memref<!tpu.dma_semaphore, #tpu.memory_space<semaphore_mem>>, %arg22: memref<!tpu.dma_semaphore, #tpu.memory_space<semaphore_mem>>, %arg23: memref<!tpu.dma_semaphore, #tpu.memory_space<semaphore_mem>>, %arg24: memref<!tpu.dma_semaphore, #tpu.memory_space<semaphore_mem>>) attributes {dimension_semantics = [#tpu.dimension_semantics<core_parallel>, #tpu.dimension_semantics<subcore_parallel>], iteration_bounds = array<i64: 2, 16>, scalar_prefetch = 0 : i64, scratch_operands = 19 : i64, tpu.core_type = #tpu.core_type<sc_vector_subcore>, window_params = [{transform_indices = #map}, {transform_indices = #map}, {transform_indices = #map1}, {transform_indices = #map}]} {
    %mul3A = arith.constant 2 : i32
    %mul3A_0 = arith.muli %arg1, %mul3A : i32
    %add3A = arith.addi %mul3A_0, %arg0 : i32
    %mul3A_1 = arith.constant 128 : i32
    %mul3A_2 = arith.muli %add3A, %mul3A_1 : i32
    "tpu.region"() ({
      %run_scoped3A = tpu.sem_alloc : memref<!tpu.dma_semaphore, #tpu.memory_space<semaphore_mem>>
      %dma_start3A_124 = arith.constant 0 : i32
      %dma_start3A_125 = tpu.memref_slice %arg3[%dma_start3A_124, %mul3A_2] : memref<200x4096xi32, #tpu.memory_space<hbm>> -> memref<200x128xi32, #tpu.memory_space<hbm>>
      %dma_start3A_126 = arith.constant 0 : i32
      %dma_start3A_127 = tpu.memref_slice %arg3[%dma_start3A_126, %mul3A_2] : memref<200x4096xi32, #tpu.memory_space<hbm>> -> memref<200x128xi32, #tpu.memory_space<hbm>>
      tpu.enqueue_dma source(%dma_start3A_127 : memref<200x128xi32, #tpu.memory_space<hbm>>) target(%arg6 : memref<200x128xi32, #tpu.memory_space<vmem>>) target_semaphore(%run_scoped3A : memref<!tpu.dma_semaphore, #tpu.memory_space<semaphore_mem>>)
      %dma_wait3A_128 = arith.constant 0 : i32
      %dma_wait3A_129 = tpu.memref_slice %arg3[%dma_wait3A_128, %mul3A_2] : memref<200x4096xi32, #tpu.memory_space<hbm>> -> memref<200x128xi32, #tpu.memory_space<hbm>>
      %dma_wait3A_130 = arith.constant 0 : i32
      %dma_wait3A_131 = tpu.memref_slice %arg3[%dma_wait3A_130, %mul3A_2] : memref<200x4096xi32, #tpu.memory_space<hbm>> -> memref<200x128xi32, #tpu.memory_space<hbm>>
      tpu.wait_dma2 semaphore(%run_scoped3A : memref<!tpu.dma_semaphore, #tpu.memory_space<semaphore_mem>>) src(%dma_wait3A_131 : memref<200x128xi32, #tpu.memory_space<hbm>>) dst(%arg6 : memref<200x128xi32, #tpu.memory_space<vmem>>)
      tpu.yield
    }) : () -> ()
    "tpu.region"() ({
      %run_scoped3A = tpu.sem_alloc : memref<!tpu.dma_semaphore, #tpu.memory_space<semaphore_mem>>
      tpu.enqueue_dma source(%arg4 : memref<16xf32, #tpu.memory_space<hbm>>) target(%arg16 : memref<16xf32, #tpu.memory_space<vmem>>) target_semaphore(%run_scoped3A : memref<!tpu.dma_semaphore, #tpu.memory_space<semaphore_mem>>)
      tpu.wait_dma2 semaphore(%run_scoped3A : memref<!tpu.dma_semaphore, #tpu.memory_space<semaphore_mem>>) src(%arg4 : memref<16xf32, #tpu.memory_space<hbm>>) dst(%arg16 : memref<16xf32, #tpu.memory_space<vmem>>)
      tpu.yield
    }) : () -> ()
    %dma_start3A = arith.constant 0 : i32
    %dma_start3A_3 = arith.constant 0 : i32
    %dma_start3A_4 = tpu.memref_slice %arg6[%dma_start3A, %dma_start3A_3] : memref<200x128xi32, #tpu.memory_space<vmem>> -> memref<1x128xi32, #tpu.memory_space<vmem>>
    %dma_start3A_5 = tpu.memref_squeeze %dma_start3A_4 : memref<1x128xi32, #tpu.memory_space<vmem>> -> memref<128xi32, #tpu.memory_space<vmem>>
    %dma_start3A_6 = arith.constant 0 : i32
    %dma_start3A_7 = arith.constant 0 : i32
    %dma_start3A_8 = tpu.memref_slice %arg2[%dma_start3A_6, %dma_start3A_7] : memref<1015808x16xf32, #tpu.memory_space<hbm>> -> memref<1015808x16xf32, #tpu.memory_space<hbm>>
    tpu.enqueue_indirect_dma source(%dma_start3A_8 : memref<1015808x16xf32, #tpu.memory_space<hbm>>) target(%arg7 : memref<128x16xf32, #tpu.memory_space<vmem>>) offsets(%dma_start3A_5 : memref<128xi32, #tpu.memory_space<vmem>>) semaphore(%arg17 : memref<!tpu.dma_semaphore, #tpu.memory_space<semaphore_mem>>)
    %dma_start3A_9 = arith.constant 1 : i32
    %dma_start3A_10 = arith.constant 0 : i32
    %dma_start3A_11 = tpu.memref_slice %arg6[%dma_start3A_9, %dma_start3A_10] : memref<200x128xi32, #tpu.memory_space<vmem>> -> memref<1x128xi32, #tpu.memory_space<vmem>>
    %dma_start3A_12 = tpu.memref_squeeze %dma_start3A_11 : memref<1x128xi32, #tpu.memory_space<vmem>> -> memref<128xi32, #tpu.memory_space<vmem>>
    %dma_start3A_13 = arith.constant 0 : i32
    %dma_start3A_14 = arith.constant 0 : i32
    %dma_start3A_15 = tpu.memref_slice %arg2[%dma_start3A_13, %dma_start3A_14] : memref<1015808x16xf32, #tpu.memory_space<hbm>> -> memref<1015808x16xf32, #tpu.memory_space<hbm>>
    tpu.enqueue_indirect_dma source(%dma_start3A_15 : memref<1015808x16xf32, #tpu.memory_space<hbm>>) target(%arg8 : memref<128x16xf32, #tpu.memory_space<vmem>>) offsets(%dma_start3A_12 : memref<128xi32, #tpu.memory_space<vmem>>) semaphore(%arg18 : memref<!tpu.dma_semaphore, #tpu.memory_space<semaphore_mem>>)
    %dma_start3A_16 = arith.constant 2 : i32
    %dma_start3A_17 = arith.constant 0 : i32
    %dma_start3A_18 = tpu.memref_slice %arg6[%dma_start3A_16, %dma_start3A_17] : memref<200x128xi32, #tpu.memory_space<vmem>> -> memref<1x128xi32, #tpu.memory_space<vmem>>
    %dma_start3A_19 = tpu.memref_squeeze %dma_start3A_18 : memref<1x128xi32, #tpu.memory_space<vmem>> -> memref<128xi32, #tpu.memory_space<vmem>>
    %dma_start3A_20 = arith.constant 0 : i32
    %dma_start3A_21 = arith.constant 0 : i32
    %dma_start3A_22 = tpu.memref_slice %arg2[%dma_start3A_20, %dma_start3A_21] : memref<1015808x16xf32, #tpu.memory_space<hbm>> -> memref<1015808x16xf32, #tpu.memory_space<hbm>>
    tpu.enqueue_indirect_dma source(%dma_start3A_22 : memref<1015808x16xf32, #tpu.memory_space<hbm>>) target(%arg9 : memref<128x16xf32, #tpu.memory_space<vmem>>) offsets(%dma_start3A_19 : memref<128xi32, #tpu.memory_space<vmem>>) semaphore(%arg19 : memref<!tpu.dma_semaphore, #tpu.memory_space<semaphore_mem>>)
    %dma_start3A_23 = arith.constant 3 : i32
    %dma_start3A_24 = arith.constant 0 : i32
    %dma_start3A_25 = tpu.memref_slice %arg6[%dma_start3A_23, %dma_start3A_24] : memref<200x128xi32, #tpu.memory_space<vmem>> -> memref<1x128xi32, #tpu.memory_space<vmem>>
    %dma_start3A_26 = tpu.memref_squeeze %dma_start3A_25 : memref<1x128xi32, #tpu.memory_space<vmem>> -> memref<128xi32, #tpu.memory_space<vmem>>
    %dma_start3A_27 = arith.constant 0 : i32
    %dma_start3A_28 = arith.constant 0 : i32
    %dma_start3A_29 = tpu.memref_slice %arg2[%dma_start3A_27, %dma_start3A_28] : memref<1015808x16xf32, #tpu.memory_space<hbm>> -> memref<1015808x16xf32, #tpu.memory_space<hbm>>
    tpu.enqueue_indirect_dma source(%dma_start3A_29 : memref<1015808x16xf32, #tpu.memory_space<hbm>>) target(%arg10 : memref<128x16xf32, #tpu.memory_space<vmem>>) offsets(%dma_start3A_26 : memref<128xi32, #tpu.memory_space<vmem>>) semaphore(%arg20 : memref<!tpu.dma_semaphore, #tpu.memory_space<semaphore_mem>>)
    %dma_start3A_30 = arith.constant 4 : i32
    %dma_start3A_31 = arith.constant 0 : i32
    %dma_start3A_32 = tpu.memref_slice %arg6[%dma_start3A_30, %dma_start3A_31] : memref<200x128xi32, #tpu.memory_space<vmem>> -> memref<1x128xi32, #tpu.memory_space<vmem>>
    %dma_start3A_33 = tpu.memref_squeeze %dma_start3A_32 : memref<1x128xi32, #tpu.memory_space<vmem>> -> memref<128xi32, #tpu.memory_space<vmem>>
    %dma_start3A_34 = arith.constant 0 : i32
    %dma_start3A_35 = arith.constant 0 : i32
    %dma_start3A_36 = tpu.memref_slice %arg2[%dma_start3A_34, %dma_start3A_35] : memref<1015808x16xf32, #tpu.memory_space<hbm>> -> memref<1015808x16xf32, #tpu.memory_space<hbm>>
    tpu.enqueue_indirect_dma source(%dma_start3A_36 : memref<1015808x16xf32, #tpu.memory_space<hbm>>) target(%arg11 : memref<128x16xf32, #tpu.memory_space<vmem>>) offsets(%dma_start3A_33 : memref<128xi32, #tpu.memory_space<vmem>>) semaphore(%arg21 : memref<!tpu.dma_semaphore, #tpu.memory_space<semaphore_mem>>)
    %dma_start3A_37 = arith.constant 5 : i32
    %dma_start3A_38 = arith.constant 0 : i32
    %dma_start3A_39 = tpu.memref_slice %arg6[%dma_start3A_37, %dma_start3A_38] : memref<200x128xi32, #tpu.memory_space<vmem>> -> memref<1x128xi32, #tpu.memory_space<vmem>>
    %dma_start3A_40 = tpu.memref_squeeze %dma_start3A_39 : memref<1x128xi32, #tpu.memory_space<vmem>> -> memref<128xi32, #tpu.memory_space<vmem>>
    %dma_start3A_41 = arith.constant 0 : i32
    %dma_start3A_42 = arith.constant 0 : i32
    %dma_start3A_43 = tpu.memref_slice %arg2[%dma_start3A_41, %dma_start3A_42] : memref<1015808x16xf32, #tpu.memory_space<hbm>> -> memref<1015808x16xf32, #tpu.memory_space<hbm>>
    tpu.enqueue_indirect_dma source(%dma_start3A_43 : memref<1015808x16xf32, #tpu.memory_space<hbm>>) target(%arg12 : memref<128x16xf32, #tpu.memory_space<vmem>>) offsets(%dma_start3A_40 : memref<128xi32, #tpu.memory_space<vmem>>) semaphore(%arg22 : memref<!tpu.dma_semaphore, #tpu.memory_space<semaphore_mem>>)
    %dma_start3A_44 = arith.constant 6 : i32
    %dma_start3A_45 = arith.constant 0 : i32
    %dma_start3A_46 = tpu.memref_slice %arg6[%dma_start3A_44, %dma_start3A_45] : memref<200x128xi32, #tpu.memory_space<vmem>> -> memref<1x128xi32, #tpu.memory_space<vmem>>
    %dma_start3A_47 = tpu.memref_squeeze %dma_start3A_46 : memref<1x128xi32, #tpu.memory_space<vmem>> -> memref<128xi32, #tpu.memory_space<vmem>>
    %dma_start3A_48 = arith.constant 0 : i32
    %dma_start3A_49 = arith.constant 0 : i32
    %dma_start3A_50 = tpu.memref_slice %arg2[%dma_start3A_48, %dma_start3A_49] : memref<1015808x16xf32, #tpu.memory_space<hbm>> -> memref<1015808x16xf32, #tpu.memory_space<hbm>>
    tpu.enqueue_indirect_dma source(%dma_start3A_50 : memref<1015808x16xf32, #tpu.memory_space<hbm>>) target(%arg13 : memref<128x16xf32, #tpu.memory_space<vmem>>) offsets(%dma_start3A_47 : memref<128xi32, #tpu.memory_space<vmem>>) semaphore(%arg23 : memref<!tpu.dma_semaphore, #tpu.memory_space<semaphore_mem>>)
    %dma_start3A_51 = arith.constant 7 : i32
    %dma_start3A_52 = arith.constant 0 : i32
    %dma_start3A_53 = tpu.memref_slice %arg6[%dma_start3A_51, %dma_start3A_52] : memref<200x128xi32, #tpu.memory_space<vmem>> -> memref<1x128xi32, #tpu.memory_space<vmem>>
    %dma_start3A_54 = tpu.memref_squeeze %dma_start3A_53 : memref<1x128xi32, #tpu.memory_space<vmem>> -> memref<128xi32, #tpu.memory_space<vmem>>
    %dma_start3A_55 = arith.constant 0 : i32
    %dma_start3A_56 = arith.constant 0 : i32
    %dma_start3A_57 = tpu.memref_slice %arg2[%dma_start3A_55, %dma_start3A_56] : memref<1015808x16xf32, #tpu.memory_space<hbm>> -> memref<1015808x16xf32, #tpu.memory_space<hbm>>
    tpu.enqueue_indirect_dma source(%dma_start3A_57 : memref<1015808x16xf32, #tpu.memory_space<hbm>>) target(%arg14 : memref<128x16xf32, #tpu.memory_space<vmem>>) offsets(%dma_start3A_54 : memref<128xi32, #tpu.memory_space<vmem>>) semaphore(%arg24 : memref<!tpu.dma_semaphore, #tpu.memory_space<semaphore_mem>>)
    %scan3A = arith.constant 0 : i32
    %scan3A_58 = arith.constant 24 : i32
    %scan3A_59 = arith.addi %scan3A, %scan3A_58 : i32
    %scan3A_60 = arith.constant 1 : i32
    scf.for %scan3A_124 = %scan3A to %scan3A_59 step %scan3A_60  : i32 {
      %mul3A_125 = arith.constant 1 : i32
      %mul3A_126 = arith.muli %scan3A_124, %mul3A_125 : i32
      %add3A_127 = arith.constant 1 : i32
      %add3A_128 = arith.addi %add3A_127, %mul3A_126 : i32
      %sub3A = arith.constant 1 : i32
      %sub3A_129 = arith.subi %add3A_128, %sub3A : i32
      %mul3A_130 = arith.constant 8 : i32
      %mul3A_131 = arith.muli %mul3A_130, %sub3A_129 : i32
      %add3A_132 = arith.constant 0 : i32
      %add3A_133 = arith.addi %mul3A_131, %add3A_132 : i32
      %dma_wait3A_134 = arith.constant 0 : i32
      %dma_wait3A_135 = tpu.memref_slice %arg6[%add3A_133, %dma_wait3A_134] : memref<200x128xi32, #tpu.memory_space<vmem>> -> memref<1x128xi32, #tpu.memory_space<vmem>>
      %dma_wait3A_136 = tpu.memref_squeeze %dma_wait3A_135 : memref<1x128xi32, #tpu.memory_space<vmem>> -> memref<128xi32, #tpu.memory_space<vmem>>
      %dma_wait3A_137 = arith.constant 0 : i32
      %dma_wait3A_138 = arith.constant 0 : i32
      %dma_wait3A_139 = tpu.memref_slice %arg2[%dma_wait3A_137, %dma_wait3A_138] : memref<1015808x16xf32, #tpu.memory_space<hbm>> -> memref<1015808x16xf32, #tpu.memory_space<hbm>>
      tpu.wait_indirect_dma semaphore(%arg17 : memref<!tpu.dma_semaphore, #tpu.memory_space<semaphore_mem>>) src(%dma_wait3A_139 : memref<1015808x16xf32, #tpu.memory_space<hbm>>) dst(%arg7 : memref<128x16xf32, #tpu.memory_space<vmem>>)
      %mul3A_140 = arith.constant 8 : i32
      %mul3A_141 = arith.muli %mul3A_140, %add3A_128 : i32
      %add3A_142 = arith.constant 0 : i32
      %add3A_143 = arith.addi %mul3A_141, %add3A_142 : i32
      %dma_start3A_144 = arith.constant 0 : i32
      %dma_start3A_145 = tpu.memref_slice %arg6[%add3A_143, %dma_start3A_144] : memref<200x128xi32, #tpu.memory_space<vmem>> -> memref<1x128xi32, #tpu.memory_space<vmem>>
      %dma_start3A_146 = tpu.memref_squeeze %dma_start3A_145 : memref<1x128xi32, #tpu.memory_space<vmem>> -> memref<128xi32, #tpu.memory_space<vmem>>
      %dma_start3A_147 = arith.constant 0 : i32
      %dma_start3A_148 = arith.constant 0 : i32
      %dma_start3A_149 = tpu.memref_slice %arg2[%dma_start3A_147, %dma_start3A_148] : memref<1015808x16xf32, #tpu.memory_space<hbm>> -> memref<1015808x16xf32, #tpu.memory_space<hbm>>
      tpu.enqueue_indirect_dma source(%dma_start3A_149 : memref<1015808x16xf32, #tpu.memory_space<hbm>>) target(%arg7 : memref<128x16xf32, #tpu.memory_space<vmem>>) offsets(%dma_start3A_146 : memref<128xi32, #tpu.memory_space<vmem>>) semaphore(%arg17 : memref<!tpu.dma_semaphore, #tpu.memory_space<semaphore_mem>>) {add = true}
      %sub3A_150 = arith.constant 1 : i32
      %sub3A_151 = arith.subi %add3A_128, %sub3A_150 : i32
      %mul3A_152 = arith.constant 8 : i32
      %mul3A_153 = arith.muli %mul3A_152, %sub3A_151 : i32
      %add3A_154 = arith.constant 1 : i32
      %add3A_155 = arith.addi %mul3A_153, %add3A_154 : i32
      %dma_wait3A_156 = arith.constant 0 : i32
      %dma_wait3A_157 = tpu.memref_slice %arg6[%add3A_155, %dma_wait3A_156] : memref<200x128xi32, #tpu.memory_space<vmem>> -> memref<1x128xi32, #tpu.memory_space<vmem>>
      %dma_wait3A_158 = tpu.memref_squeeze %dma_wait3A_157 : memref<1x128xi32, #tpu.memory_space<vmem>> -> memref<128xi32, #tpu.memory_space<vmem>>
      %dma_wait3A_159 = arith.constant 0 : i32
      %dma_wait3A_160 = arith.constant 0 : i32
      %dma_wait3A_161 = tpu.memref_slice %arg2[%dma_wait3A_159, %dma_wait3A_160] : memref<1015808x16xf32, #tpu.memory_space<hbm>> -> memref<1015808x16xf32, #tpu.memory_space<hbm>>
      tpu.wait_indirect_dma semaphore(%arg18 : memref<!tpu.dma_semaphore, #tpu.memory_space<semaphore_mem>>) src(%dma_wait3A_161 : memref<1015808x16xf32, #tpu.memory_space<hbm>>) dst(%arg8 : memref<128x16xf32, #tpu.memory_space<vmem>>)
      %mul3A_162 = arith.constant 8 : i32
      %mul3A_163 = arith.muli %mul3A_162, %add3A_128 : i32
      %add3A_164 = arith.constant 1 : i32
      %add3A_165 = arith.addi %mul3A_163, %add3A_164 : i32
      %dma_start3A_166 = arith.constant 0 : i32
      %dma_start3A_167 = tpu.memref_slice %arg6[%add3A_165, %dma_start3A_166] : memref<200x128xi32, #tpu.memory_space<vmem>> -> memref<1x128xi32, #tpu.memory_space<vmem>>
      %dma_start3A_168 = tpu.memref_squeeze %dma_start3A_167 : memref<1x128xi32, #tpu.memory_space<vmem>> -> memref<128xi32, #tpu.memory_space<vmem>>
      %dma_start3A_169 = arith.constant 0 : i32
      %dma_start3A_170 = arith.constant 0 : i32
      %dma_start3A_171 = tpu.memref_slice %arg2[%dma_start3A_169, %dma_start3A_170] : memref<1015808x16xf32, #tpu.memory_space<hbm>> -> memref<1015808x16xf32, #tpu.memory_space<hbm>>
      tpu.enqueue_indirect_dma source(%dma_start3A_171 : memref<1015808x16xf32, #tpu.memory_space<hbm>>) target(%arg8 : memref<128x16xf32, #tpu.memory_space<vmem>>) offsets(%dma_start3A_168 : memref<128xi32, #tpu.memory_space<vmem>>) semaphore(%arg18 : memref<!tpu.dma_semaphore, #tpu.memory_space<semaphore_mem>>) {add = true}
      %sub3A_172 = arith.constant 1 : i32
      %sub3A_173 = arith.subi %add3A_128, %sub3A_172 : i32
      %mul3A_174 = arith.constant 8 : i32
      %mul3A_175 = arith.muli %mul3A_174, %sub3A_173 : i32
      %add3A_176 = arith.constant 2 : i32
      %add3A_177 = arith.addi %mul3A_175, %add3A_176 : i32
      %dma_wait3A_178 = arith.constant 0 : i32
      %dma_wait3A_179 = tpu.memref_slice %arg6[%add3A_177, %dma_wait3A_178] : memref<200x128xi32, #tpu.memory_space<vmem>> -> memref<1x128xi32, #tpu.memory_space<vmem>>
      %dma_wait3A_180 = tpu.memref_squeeze %dma_wait3A_179 : memref<1x128xi32, #tpu.memory_space<vmem>> -> memref<128xi32, #tpu.memory_space<vmem>>
      %dma_wait3A_181 = arith.constant 0 : i32
      %dma_wait3A_182 = arith.constant 0 : i32
      %dma_wait3A_183 = tpu.memref_slice %arg2[%dma_wait3A_181, %dma_wait3A_182] : memref<1015808x16xf32, #tpu.memory_space<hbm>> -> memref<1015808x16xf32, #tpu.memory_space<hbm>>
      tpu.wait_indirect_dma semaphore(%arg19 : memref<!tpu.dma_semaphore, #tpu.memory_space<semaphore_mem>>) src(%dma_wait3A_183 : memref<1015808x16xf32, #tpu.memory_space<hbm>>) dst(%arg9 : memref<128x16xf32, #tpu.memory_space<vmem>>)
      %mul3A_184 = arith.constant 8 : i32
      %mul3A_185 = arith.muli %mul3A_184, %add3A_128 : i32
      %add3A_186 = arith.constant 2 : i32
      %add3A_187 = arith.addi %mul3A_185, %add3A_186 : i32
      %dma_start3A_188 = arith.constant 0 : i32
      %dma_start3A_189 = tpu.memref_slice %arg6[%add3A_187, %dma_start3A_188] : memref<200x128xi32, #tpu.memory_space<vmem>> -> memref<1x128xi32, #tpu.memory_space<vmem>>
      %dma_start3A_190 = tpu.memref_squeeze %dma_start3A_189 : memref<1x128xi32, #tpu.memory_space<vmem>> -> memref<128xi32, #tpu.memory_space<vmem>>
      %dma_start3A_191 = arith.constant 0 : i32
      %dma_start3A_192 = arith.constant 0 : i32
      %dma_start3A_193 = tpu.memref_slice %arg2[%dma_start3A_191, %dma_start3A_192] : memref<1015808x16xf32, #tpu.memory_space<hbm>> -> memref<1015808x16xf32, #tpu.memory_space<hbm>>
      tpu.enqueue_indirect_dma source(%dma_start3A_193 : memref<1015808x16xf32, #tpu.memory_space<hbm>>) target(%arg9 : memref<128x16xf32, #tpu.memory_space<vmem>>) offsets(%dma_start3A_190 : memref<128xi32, #tpu.memory_space<vmem>>) semaphore(%arg19 : memref<!tpu.dma_semaphore, #tpu.memory_space<semaphore_mem>>) {add = true}
      %sub3A_194 = arith.constant 1 : i32
      %sub3A_195 = arith.subi %add3A_128, %sub3A_194 : i32
      %mul3A_196 = arith.constant 8 : i32
      %mul3A_197 = arith.muli %mul3A_196, %sub3A_195 : i32
      %add3A_198 = arith.constant 3 : i32
      %add3A_199 = arith.addi %mul3A_197, %add3A_198 : i32
      %dma_wait3A_200 = arith.constant 0 : i32
      %dma_wait3A_201 = tpu.memref_slice %arg6[%add3A_199, %dma_wait3A_200] : memref<200x128xi32, #tpu.memory_space<vmem>> -> memref<1x128xi32, #tpu.memory_space<vmem>>
      %dma_wait3A_202 = tpu.memref_squeeze %dma_wait3A_201 : memref<1x128xi32, #tpu.memory_space<vmem>> -> memref<128xi32, #tpu.memory_space<vmem>>
      %dma_wait3A_203 = arith.constant 0 : i32
      %dma_wait3A_204 = arith.constant 0 : i32
      %dma_wait3A_205 = tpu.memref_slice %arg2[%dma_wait3A_203, %dma_wait3A_204] : memref<1015808x16xf32, #tpu.memory_space<hbm>> -> memref<1015808x16xf32, #tpu.memory_space<hbm>>
      tpu.wait_indirect_dma semaphore(%arg20 : memref<!tpu.dma_semaphore, #tpu.memory_space<semaphore_mem>>) src(%dma_wait3A_205 : memref<1015808x16xf32, #tpu.memory_space<hbm>>) dst(%arg10 : memref<128x16xf32, #tpu.memory_space<vmem>>)
      %mul3A_206 = arith.constant 8 : i32
      %mul3A_207 = arith.muli %mul3A_206, %add3A_128 : i32
      %add3A_208 = arith.constant 3 : i32
      %add3A_209 = arith.addi %mul3A_207, %add3A_208 : i32
      %dma_start3A_210 = arith.constant 0 : i32
      %dma_start3A_211 = tpu.memref_slice %arg6[%add3A_209, %dma_start3A_210] : memref<200x128xi32, #tpu.memory_space<vmem>> -> memref<1x128xi32, #tpu.memory_space<vmem>>
      %dma_start3A_212 = tpu.memref_squeeze %dma_start3A_211 : memref<1x128xi32, #tpu.memory_space<vmem>> -> memref<128xi32, #tpu.memory_space<vmem>>
      %dma_start3A_213 = arith.constant 0 : i32
      %dma_start3A_214 = arith.constant 0 : i32
      %dma_start3A_215 = tpu.memref_slice %arg2[%dma_start3A_213, %dma_start3A_214] : memref<1015808x16xf32, #tpu.memory_space<hbm>> -> memref<1015808x16xf32, #tpu.memory_space<hbm>>
      tpu.enqueue_indirect_dma source(%dma_start3A_215 : memref<1015808x16xf32, #tpu.memory_space<hbm>>) target(%arg10 : memref<128x16xf32, #tpu.memory_space<vmem>>) offsets(%dma_start3A_212 : memref<128xi32, #tpu.memory_space<vmem>>) semaphore(%arg20 : memref<!tpu.dma_semaphore, #tpu.memory_space<semaphore_mem>>) {add = true}
      %sub3A_216 = arith.constant 1 : i32
      %sub3A_217 = arith.subi %add3A_128, %sub3A_216 : i32
      %mul3A_218 = arith.constant 8 : i32
      %mul3A_219 = arith.muli %mul3A_218, %sub3A_217 : i32
      %add3A_220 = arith.constant 4 : i32
      %add3A_221 = arith.addi %mul3A_219, %add3A_220 : i32
      %dma_wait3A_222 = arith.constant 0 : i32
      %dma_wait3A_223 = tpu.memref_slice %arg6[%add3A_221, %dma_wait3A_222] : memref<200x128xi32, #tpu.memory_space<vmem>> -> memref<1x128xi32, #tpu.memory_space<vmem>>
      %dma_wait3A_224 = tpu.memref_squeeze %dma_wait3A_223 : memref<1x128xi32, #tpu.memory_space<vmem>> -> memref<128xi32, #tpu.memory_space<vmem>>
      %dma_wait3A_225 = arith.constant 0 : i32
      %dma_wait3A_226 = arith.constant 0 : i32
      %dma_wait3A_227 = tpu.memref_slice %arg2[%dma_wait3A_225, %dma_wait3A_226] : memref<1015808x16xf32, #tpu.memory_space<hbm>> -> memref<1015808x16xf32, #tpu.memory_space<hbm>>
      tpu.wait_indirect_dma semaphore(%arg21 : memref<!tpu.dma_semaphore, #tpu.memory_space<semaphore_mem>>) src(%dma_wait3A_227 : memref<1015808x16xf32, #tpu.memory_space<hbm>>) dst(%arg11 : memref<128x16xf32, #tpu.memory_space<vmem>>)
      %mul3A_228 = arith.constant 8 : i32
      %mul3A_229 = arith.muli %mul3A_228, %add3A_128 : i32
      %add3A_230 = arith.constant 4 : i32
      %add3A_231 = arith.addi %mul3A_229, %add3A_230 : i32
      %dma_start3A_232 = arith.constant 0 : i32
      %dma_start3A_233 = tpu.memref_slice %arg6[%add3A_231, %dma_start3A_232] : memref<200x128xi32, #tpu.memory_space<vmem>> -> memref<1x128xi32, #tpu.memory_space<vmem>>
      %dma_start3A_234 = tpu.memref_squeeze %dma_start3A_233 : memref<1x128xi32, #tpu.memory_space<vmem>> -> memref<128xi32, #tpu.memory_space<vmem>>
      %dma_start3A_235 = arith.constant 0 : i32
      %dma_start3A_236 = arith.constant 0 : i32
      %dma_start3A_237 = tpu.memref_slice %arg2[%dma_start3A_235, %dma_start3A_236] : memref<1015808x16xf32, #tpu.memory_space<hbm>> -> memref<1015808x16xf32, #tpu.memory_space<hbm>>
      tpu.enqueue_indirect_dma source(%dma_start3A_237 : memref<1015808x16xf32, #tpu.memory_space<hbm>>) target(%arg11 : memref<128x16xf32, #tpu.memory_space<vmem>>) offsets(%dma_start3A_234 : memref<128xi32, #tpu.memory_space<vmem>>) semaphore(%arg21 : memref<!tpu.dma_semaphore, #tpu.memory_space<semaphore_mem>>) {add = true}
      %sub3A_238 = arith.constant 1 : i32
      %sub3A_239 = arith.subi %add3A_128, %sub3A_238 : i32
      %mul3A_240 = arith.constant 8 : i32
      %mul3A_241 = arith.muli %mul3A_240, %sub3A_239 : i32
      %add3A_242 = arith.constant 5 : i32
      %add3A_243 = arith.addi %mul3A_241, %add3A_242 : i32
      %dma_wait3A_244 = arith.constant 0 : i32
      %dma_wait3A_245 = tpu.memref_slice %arg6[%add3A_243, %dma_wait3A_244] : memref<200x128xi32, #tpu.memory_space<vmem>> -> memref<1x128xi32, #tpu.memory_space<vmem>>
      %dma_wait3A_246 = tpu.memref_squeeze %dma_wait3A_245 : memref<1x128xi32, #tpu.memory_space<vmem>> -> memref<128xi32, #tpu.memory_space<vmem>>
      %dma_wait3A_247 = arith.constant 0 : i32
      %dma_wait3A_248 = arith.constant 0 : i32
      %dma_wait3A_249 = tpu.memref_slice %arg2[%dma_wait3A_247, %dma_wait3A_248] : memref<1015808x16xf32, #tpu.memory_space<hbm>> -> memref<1015808x16xf32, #tpu.memory_space<hbm>>
      tpu.wait_indirect_dma semaphore(%arg22 : memref<!tpu.dma_semaphore, #tpu.memory_space<semaphore_mem>>) src(%dma_wait3A_249 : memref<1015808x16xf32, #tpu.memory_space<hbm>>) dst(%arg12 : memref<128x16xf32, #tpu.memory_space<vmem>>)
      %mul3A_250 = arith.constant 8 : i32
      %mul3A_251 = arith.muli %mul3A_250, %add3A_128 : i32
      %add3A_252 = arith.constant 5 : i32
      %add3A_253 = arith.addi %mul3A_251, %add3A_252 : i32
      %dma_start3A_254 = arith.constant 0 : i32
      %dma_start3A_255 = tpu.memref_slice %arg6[%add3A_253, %dma_start3A_254] : memref<200x128xi32, #tpu.memory_space<vmem>> -> memref<1x128xi32, #tpu.memory_space<vmem>>
      %dma_start3A_256 = tpu.memref_squeeze %dma_start3A_255 : memref<1x128xi32, #tpu.memory_space<vmem>> -> memref<128xi32, #tpu.memory_space<vmem>>
      %dma_start3A_257 = arith.constant 0 : i32
      %dma_start3A_258 = arith.constant 0 : i32
      %dma_start3A_259 = tpu.memref_slice %arg2[%dma_start3A_257, %dma_start3A_258] : memref<1015808x16xf32, #tpu.memory_space<hbm>> -> memref<1015808x16xf32, #tpu.memory_space<hbm>>
      tpu.enqueue_indirect_dma source(%dma_start3A_259 : memref<1015808x16xf32, #tpu.memory_space<hbm>>) target(%arg12 : memref<128x16xf32, #tpu.memory_space<vmem>>) offsets(%dma_start3A_256 : memref<128xi32, #tpu.memory_space<vmem>>) semaphore(%arg22 : memref<!tpu.dma_semaphore, #tpu.memory_space<semaphore_mem>>) {add = true}
      %sub3A_260 = arith.constant 1 : i32
      %sub3A_261 = arith.subi %add3A_128, %sub3A_260 : i32
      %mul3A_262 = arith.constant 8 : i32
      %mul3A_263 = arith.muli %mul3A_262, %sub3A_261 : i32
      %add3A_264 = arith.constant 6 : i32
      %add3A_265 = arith.addi %mul3A_263, %add3A_264 : i32
      %dma_wait3A_266 = arith.constant 0 : i32
      %dma_wait3A_267 = tpu.memref_slice %arg6[%add3A_265, %dma_wait3A_266] : memref<200x128xi32, #tpu.memory_space<vmem>> -> memref<1x128xi32, #tpu.memory_space<vmem>>
      %dma_wait3A_268 = tpu.memref_squeeze %dma_wait3A_267 : memref<1x128xi32, #tpu.memory_space<vmem>> -> memref<128xi32, #tpu.memory_space<vmem>>
      %dma_wait3A_269 = arith.constant 0 : i32
      %dma_wait3A_270 = arith.constant 0 : i32
      %dma_wait3A_271 = tpu.memref_slice %arg2[%dma_wait3A_269, %dma_wait3A_270] : memref<1015808x16xf32, #tpu.memory_space<hbm>> -> memref<1015808x16xf32, #tpu.memory_space<hbm>>
      tpu.wait_indirect_dma semaphore(%arg23 : memref<!tpu.dma_semaphore, #tpu.memory_space<semaphore_mem>>) src(%dma_wait3A_271 : memref<1015808x16xf32, #tpu.memory_space<hbm>>) dst(%arg13 : memref<128x16xf32, #tpu.memory_space<vmem>>)
      %mul3A_272 = arith.constant 8 : i32
      %mul3A_273 = arith.muli %mul3A_272, %add3A_128 : i32
      %add3A_274 = arith.constant 6 : i32
      %add3A_275 = arith.addi %mul3A_273, %add3A_274 : i32
      %dma_start3A_276 = arith.constant 0 : i32
      %dma_start3A_277 = tpu.memref_slice %arg6[%add3A_275, %dma_start3A_276] : memref<200x128xi32, #tpu.memory_space<vmem>> -> memref<1x128xi32, #tpu.memory_space<vmem>>
      %dma_start3A_278 = tpu.memref_squeeze %dma_start3A_277 : memref<1x128xi32, #tpu.memory_space<vmem>> -> memref<128xi32, #tpu.memory_space<vmem>>
      %dma_start3A_279 = arith.constant 0 : i32
      %dma_start3A_280 = arith.constant 0 : i32
      %dma_start3A_281 = tpu.memref_slice %arg2[%dma_start3A_279, %dma_start3A_280] : memref<1015808x16xf32, #tpu.memory_space<hbm>> -> memref<1015808x16xf32, #tpu.memory_space<hbm>>
      tpu.enqueue_indirect_dma source(%dma_start3A_281 : memref<1015808x16xf32, #tpu.memory_space<hbm>>) target(%arg13 : memref<128x16xf32, #tpu.memory_space<vmem>>) offsets(%dma_start3A_278 : memref<128xi32, #tpu.memory_space<vmem>>) semaphore(%arg23 : memref<!tpu.dma_semaphore, #tpu.memory_space<semaphore_mem>>) {add = true}
      %sub3A_282 = arith.constant 1 : i32
      %sub3A_283 = arith.subi %add3A_128, %sub3A_282 : i32
      %mul3A_284 = arith.constant 8 : i32
      %mul3A_285 = arith.muli %mul3A_284, %sub3A_283 : i32
      %add3A_286 = arith.constant 7 : i32
      %add3A_287 = arith.addi %mul3A_285, %add3A_286 : i32
      %dma_wait3A_288 = arith.constant 0 : i32
      %dma_wait3A_289 = tpu.memref_slice %arg6[%add3A_287, %dma_wait3A_288] : memref<200x128xi32, #tpu.memory_space<vmem>> -> memref<1x128xi32, #tpu.memory_space<vmem>>
      %dma_wait3A_290 = tpu.memref_squeeze %dma_wait3A_289 : memref<1x128xi32, #tpu.memory_space<vmem>> -> memref<128xi32, #tpu.memory_space<vmem>>
      %dma_wait3A_291 = arith.constant 0 : i32
      %dma_wait3A_292 = arith.constant 0 : i32
      %dma_wait3A_293 = tpu.memref_slice %arg2[%dma_wait3A_291, %dma_wait3A_292] : memref<1015808x16xf32, #tpu.memory_space<hbm>> -> memref<1015808x16xf32, #tpu.memory_space<hbm>>
      tpu.wait_indirect_dma semaphore(%arg24 : memref<!tpu.dma_semaphore, #tpu.memory_space<semaphore_mem>>) src(%dma_wait3A_293 : memref<1015808x16xf32, #tpu.memory_space<hbm>>) dst(%arg14 : memref<128x16xf32, #tpu.memory_space<vmem>>)
      %mul3A_294 = arith.constant 8 : i32
      %mul3A_295 = arith.muli %mul3A_294, %add3A_128 : i32
      %add3A_296 = arith.constant 7 : i32
      %add3A_297 = arith.addi %mul3A_295, %add3A_296 : i32
      %dma_start3A_298 = arith.constant 0 : i32
      %dma_start3A_299 = tpu.memref_slice %arg6[%add3A_297, %dma_start3A_298] : memref<200x128xi32, #tpu.memory_space<vmem>> -> memref<1x128xi32, #tpu.memory_space<vmem>>
      %dma_start3A_300 = tpu.memref_squeeze %dma_start3A_299 : memref<1x128xi32, #tpu.memory_space<vmem>> -> memref<128xi32, #tpu.memory_space<vmem>>
      %dma_start3A_301 = arith.constant 0 : i32
      %dma_start3A_302 = arith.constant 0 : i32
      %dma_start3A_303 = tpu.memref_slice %arg2[%dma_start3A_301, %dma_start3A_302] : memref<1015808x16xf32, #tpu.memory_space<hbm>> -> memref<1015808x16xf32, #tpu.memory_space<hbm>>
      tpu.enqueue_indirect_dma source(%dma_start3A_303 : memref<1015808x16xf32, #tpu.memory_space<hbm>>) target(%arg14 : memref<128x16xf32, #tpu.memory_space<vmem>>) offsets(%dma_start3A_300 : memref<128xi32, #tpu.memory_space<vmem>>) semaphore(%arg24 : memref<!tpu.dma_semaphore, #tpu.memory_space<semaphore_mem>>) {add = true}
    }
    %scan3A_61 = arith.constant 24 : i32
    %dma_wait3A = arith.constant 192 : i32
    %dma_wait3A_62 = arith.constant 0 : i32
    %dma_wait3A_63 = tpu.memref_slice %arg6[%dma_wait3A, %dma_wait3A_62] : memref<200x128xi32, #tpu.memory_space<vmem>> -> memref<1x128xi32, #tpu.memory_space<vmem>>
    %dma_wait3A_64 = tpu.memref_squeeze %dma_wait3A_63 : memref<1x128xi32, #tpu.memory_space<vmem>> -> memref<128xi32, #tpu.memory_space<vmem>>
    %dma_wait3A_65 = arith.constant 0 : i32
    %dma_wait3A_66 = arith.constant 0 : i32
    %dma_wait3A_67 = tpu.memref_slice %arg2[%dma_wait3A_65, %dma_wait3A_66] : memref<1015808x16xf32, #tpu.memory_space<hbm>> -> memref<1015808x16xf32, #tpu.memory_space<hbm>>
    tpu.wait_indirect_dma semaphore(%arg17 : memref<!tpu.dma_semaphore, #tpu.memory_space<semaphore_mem>>) src(%dma_wait3A_67 : memref<1015808x16xf32, #tpu.memory_space<hbm>>) dst(%arg7 : memref<128x16xf32, #tpu.memory_space<vmem>>)
    %dma_wait3A_68 = arith.constant 193 : i32
    %dma_wait3A_69 = arith.constant 0 : i32
    %dma_wait3A_70 = tpu.memref_slice %arg6[%dma_wait3A_68, %dma_wait3A_69] : memref<200x128xi32, #tpu.memory_space<vmem>> -> memref<1x128xi32, #tpu.memory_space<vmem>>
    %dma_wait3A_71 = tpu.memref_squeeze %dma_wait3A_70 : memref<1x128xi32, #tpu.memory_space<vmem>> -> memref<128xi32, #tpu.memory_space<vmem>>
    %dma_wait3A_72 = arith.constant 0 : i32
    %dma_wait3A_73 = arith.constant 0 : i32
    %dma_wait3A_74 = tpu.memref_slice %arg2[%dma_wait3A_72, %dma_wait3A_73] : memref<1015808x16xf32, #tpu.memory_space<hbm>> -> memref<1015808x16xf32, #tpu.memory_space<hbm>>
    tpu.wait_indirect_dma semaphore(%arg18 : memref<!tpu.dma_semaphore, #tpu.memory_space<semaphore_mem>>) src(%dma_wait3A_74 : memref<1015808x16xf32, #tpu.memory_space<hbm>>) dst(%arg8 : memref<128x16xf32, #tpu.memory_space<vmem>>)
    %dma_wait3A_75 = arith.constant 194 : i32
    %dma_wait3A_76 = arith.constant 0 : i32
    %dma_wait3A_77 = tpu.memref_slice %arg6[%dma_wait3A_75, %dma_wait3A_76] : memref<200x128xi32, #tpu.memory_space<vmem>> -> memref<1x128xi32, #tpu.memory_space<vmem>>
    %dma_wait3A_78 = tpu.memref_squeeze %dma_wait3A_77 : memref<1x128xi32, #tpu.memory_space<vmem>> -> memref<128xi32, #tpu.memory_space<vmem>>
    %dma_wait3A_79 = arith.constant 0 : i32
    %dma_wait3A_80 = arith.constant 0 : i32
    %dma_wait3A_81 = tpu.memref_slice %arg2[%dma_wait3A_79, %dma_wait3A_80] : memref<1015808x16xf32, #tpu.memory_space<hbm>> -> memref<1015808x16xf32, #tpu.memory_space<hbm>>
    tpu.wait_indirect_dma semaphore(%arg19 : memref<!tpu.dma_semaphore, #tpu.memory_space<semaphore_mem>>) src(%dma_wait3A_81 : memref<1015808x16xf32, #tpu.memory_space<hbm>>) dst(%arg9 : memref<128x16xf32, #tpu.memory_space<vmem>>)
    %dma_wait3A_82 = arith.constant 195 : i32
    %dma_wait3A_83 = arith.constant 0 : i32
    %dma_wait3A_84 = tpu.memref_slice %arg6[%dma_wait3A_82, %dma_wait3A_83] : memref<200x128xi32, #tpu.memory_space<vmem>> -> memref<1x128xi32, #tpu.memory_space<vmem>>
    %dma_wait3A_85 = tpu.memref_squeeze %dma_wait3A_84 : memref<1x128xi32, #tpu.memory_space<vmem>> -> memref<128xi32, #tpu.memory_space<vmem>>
    %dma_wait3A_86 = arith.constant 0 : i32
    %dma_wait3A_87 = arith.constant 0 : i32
    %dma_wait3A_88 = tpu.memref_slice %arg2[%dma_wait3A_86, %dma_wait3A_87] : memref<1015808x16xf32, #tpu.memory_space<hbm>> -> memref<1015808x16xf32, #tpu.memory_space<hbm>>
    tpu.wait_indirect_dma semaphore(%arg20 : memref<!tpu.dma_semaphore, #tpu.memory_space<semaphore_mem>>) src(%dma_wait3A_88 : memref<1015808x16xf32, #tpu.memory_space<hbm>>) dst(%arg10 : memref<128x16xf32, #tpu.memory_space<vmem>>)
    %dma_wait3A_89 = arith.constant 196 : i32
    %dma_wait3A_90 = arith.constant 0 : i32
    %dma_wait3A_91 = tpu.memref_slice %arg6[%dma_wait3A_89, %dma_wait3A_90] : memref<200x128xi32, #tpu.memory_space<vmem>> -> memref<1x128xi32, #tpu.memory_space<vmem>>
    %dma_wait3A_92 = tpu.memref_squeeze %dma_wait3A_91 : memref<1x128xi32, #tpu.memory_space<vmem>> -> memref<128xi32, #tpu.memory_space<vmem>>
    %dma_wait3A_93 = arith.constant 0 : i32
    %dma_wait3A_94 = arith.constant 0 : i32
    %dma_wait3A_95 = tpu.memref_slice %arg2[%dma_wait3A_93, %dma_wait3A_94] : memref<1015808x16xf32, #tpu.memory_space<hbm>> -> memref<1015808x16xf32, #tpu.memory_space<hbm>>
    tpu.wait_indirect_dma semaphore(%arg21 : memref<!tpu.dma_semaphore, #tpu.memory_space<semaphore_mem>>) src(%dma_wait3A_95 : memref<1015808x16xf32, #tpu.memory_space<hbm>>) dst(%arg11 : memref<128x16xf32, #tpu.memory_space<vmem>>)
    %dma_wait3A_96 = arith.constant 197 : i32
    %dma_wait3A_97 = arith.constant 0 : i32
    %dma_wait3A_98 = tpu.memref_slice %arg6[%dma_wait3A_96, %dma_wait3A_97] : memref<200x128xi32, #tpu.memory_space<vmem>> -> memref<1x128xi32, #tpu.memory_space<vmem>>
    %dma_wait3A_99 = tpu.memref_squeeze %dma_wait3A_98 : memref<1x128xi32, #tpu.memory_space<vmem>> -> memref<128xi32, #tpu.memory_space<vmem>>
    %dma_wait3A_100 = arith.constant 0 : i32
    %dma_wait3A_101 = arith.constant 0 : i32
    %dma_wait3A_102 = tpu.memref_slice %arg2[%dma_wait3A_100, %dma_wait3A_101] : memref<1015808x16xf32, #tpu.memory_space<hbm>> -> memref<1015808x16xf32, #tpu.memory_space<hbm>>
    tpu.wait_indirect_dma semaphore(%arg22 : memref<!tpu.dma_semaphore, #tpu.memory_space<semaphore_mem>>) src(%dma_wait3A_102 : memref<1015808x16xf32, #tpu.memory_space<hbm>>) dst(%arg12 : memref<128x16xf32, #tpu.memory_space<vmem>>)
    %dma_wait3A_103 = arith.constant 198 : i32
    %dma_wait3A_104 = arith.constant 0 : i32
    %dma_wait3A_105 = tpu.memref_slice %arg6[%dma_wait3A_103, %dma_wait3A_104] : memref<200x128xi32, #tpu.memory_space<vmem>> -> memref<1x128xi32, #tpu.memory_space<vmem>>
    %dma_wait3A_106 = tpu.memref_squeeze %dma_wait3A_105 : memref<1x128xi32, #tpu.memory_space<vmem>> -> memref<128xi32, #tpu.memory_space<vmem>>
    %dma_wait3A_107 = arith.constant 0 : i32
    %dma_wait3A_108 = arith.constant 0 : i32
    %dma_wait3A_109 = tpu.memref_slice %arg2[%dma_wait3A_107, %dma_wait3A_108] : memref<1015808x16xf32, #tpu.memory_space<hbm>> -> memref<1015808x16xf32, #tpu.memory_space<hbm>>
    tpu.wait_indirect_dma semaphore(%arg23 : memref<!tpu.dma_semaphore, #tpu.memory_space<semaphore_mem>>) src(%dma_wait3A_109 : memref<1015808x16xf32, #tpu.memory_space<hbm>>) dst(%arg13 : memref<128x16xf32, #tpu.memory_space<vmem>>)
    %dma_wait3A_110 = arith.constant 199 : i32
    %dma_wait3A_111 = arith.constant 0 : i32
    %dma_wait3A_112 = tpu.memref_slice %arg6[%dma_wait3A_110, %dma_wait3A_111] : memref<200x128xi32, #tpu.memory_space<vmem>> -> memref<1x128xi32, #tpu.memory_space<vmem>>
    %dma_wait3A_113 = tpu.memref_squeeze %dma_wait3A_112 : memref<1x128xi32, #tpu.memory_space<vmem>> -> memref<128xi32, #tpu.memory_space<vmem>>
    %dma_wait3A_114 = arith.constant 0 : i32
    %dma_wait3A_115 = arith.constant 0 : i32
    %dma_wait3A_116 = tpu.memref_slice %arg2[%dma_wait3A_114, %dma_wait3A_115] : memref<1015808x16xf32, #tpu.memory_space<hbm>> -> memref<1015808x16xf32, #tpu.memory_space<hbm>>
    tpu.wait_indirect_dma semaphore(%arg24 : memref<!tpu.dma_semaphore, #tpu.memory_space<semaphore_mem>>) src(%dma_wait3A_116 : memref<1015808x16xf32, #tpu.memory_space<hbm>>) dst(%arg14 : memref<128x16xf32, #tpu.memory_space<vmem>>)
    %get3A = arith.constant 0 : index
    %get3A_117 = tpu.vector_load %arg16[%get3A] {strides = array<i32>} : memref<16xf32, #tpu.memory_space<vmem>>, vector<16xf32>,
    %get3A_118 = vector.shape_cast %get3A_117 : vector<16xf32> to vector<16xf32>
    %scan3A_119 = arith.constant 0 : i32
    %scan3A_120 = arith.constant 128 : i32
    %scan3A_121 = arith.addi %scan3A_119, %scan3A_120 : i32
    %scan3A_122 = arith.constant 1 : i32
    scf.for %scan3A_124 = %scan3A_119 to %scan3A_121 step %scan3A_122  : i32 {
      %mul3A_125 = arith.constant 1 : i32
      %mul3A_126 = arith.muli %scan3A_124, %mul3A_125 : i32
      %add3A_127 = arith.constant 0 : i32
      %add3A_128 = arith.addi %add3A_127, %mul3A_126 : i32
      %get3A_129 = arith.index_cast %add3A_128 : i32 to index
      %get3A_130 = arith.constant 0 : index
      %get3A_131 = tpu.vector_load %arg7[%get3A_129, %get3A_130] {strides = array<i32>} : memref<128x16xf32, #tpu.memory_space<vmem>>, vector<1x16xf32>,
      %get3A_132 = vector.shape_cast %get3A_131 : vector<1x16xf32> to vector<16xf32>
      %get3A_133 = arith.index_cast %add3A_128 : i32 to index
      %get3A_134 = arith.constant 0 : index
      %get3A_135 = tpu.vector_load %arg8[%get3A_133, %get3A_134] {strides = array<i32>} : memref<128x16xf32, #tpu.memory_space<vmem>>, vector<1x16xf32>,
      %get3A_136 = vector.shape_cast %get3A_135 : vector<1x16xf32> to vector<16xf32>
      %add3A_137 = arith.addf %get3A_132, %get3A_136 : vector<16xf32>
      %get3A_138 = arith.index_cast %add3A_128 : i32 to index
      %get3A_139 = arith.constant 0 : index
      %get3A_140 = tpu.vector_load %arg9[%get3A_138, %get3A_139] {strides = array<i32>} : memref<128x16xf32, #tpu.memory_space<vmem>>, vector<1x16xf32>,
      %get3A_141 = vector.shape_cast %get3A_140 : vector<1x16xf32> to vector<16xf32>
      %add3A_142 = arith.addf %add3A_137, %get3A_141 : vector<16xf32>
      %get3A_143 = arith.index_cast %add3A_128 : i32 to index
      %get3A_144 = arith.constant 0 : index
      %get3A_145 = tpu.vector_load %arg10[%get3A_143, %get3A_144] {strides = array<i32>} : memref<128x16xf32, #tpu.memory_space<vmem>>, vector<1x16xf32>,
      %get3A_146 = vector.shape_cast %get3A_145 : vector<1x16xf32> to vector<16xf32>
      %add3A_147 = arith.addf %add3A_142, %get3A_146 : vector<16xf32>
      %get3A_148 = arith.index_cast %add3A_128 : i32 to index
      %get3A_149 = arith.constant 0 : index
      %get3A_150 = tpu.vector_load %arg11[%get3A_148, %get3A_149] {strides = array<i32>} : memref<128x16xf32, #tpu.memory_space<vmem>>, vector<1x16xf32>,
      %get3A_151 = vector.shape_cast %get3A_150 : vector<1x16xf32> to vector<16xf32>
      %add3A_152 = arith.addf %add3A_147, %get3A_151 : vector<16xf32>
      %get3A_153 = arith.index_cast %add3A_128 : i32 to index
      %get3A_154 = arith.constant 0 : index
      %get3A_155 = tpu.vector_load %arg12[%get3A_153, %get3A_154] {strides = array<i32>} : memref<128x16xf32, #tpu.memory_space<vmem>>, vector<1x16xf32>,
      %get3A_156 = vector.shape_cast %get3A_155 : vector<1x16xf32> to vector<16xf32>
      %add3A_157 = arith.addf %add3A_152, %get3A_156 : vector<16xf32>
      %get3A_158 = arith.index_cast %add3A_128 : i32 to index
      %get3A_159 = arith.constant 0 : index
      %get3A_160 = tpu.vector_load %arg13[%get3A_158, %get3A_159] {strides = array<i32>} : memref<128x16xf32, #tpu.memory_space<vmem>>, vector<1x16xf32>,
      %get3A_161 = vector.shape_cast %get3A_160 : vector<1x16xf32> to vector<16xf32>
      %add3A_162 = arith.addf %add3A_157, %get3A_161 : vector<16xf32>
      %get3A_163 = arith.index_cast %add3A_128 : i32 to index
      %get3A_164 = arith.constant 0 : index
      %get3A_165 = tpu.vector_load %arg14[%get3A_163, %get3A_164] {strides = array<i32>} : memref<128x16xf32, #tpu.memory_space<vmem>>, vector<1x16xf32>,
      %get3A_166 = vector.shape_cast %get3A_165 : vector<1x16xf32> to vector<16xf32>
      %add3A_167 = arith.addf %add3A_162, %get3A_166 : vector<16xf32>
      %mul3A_168 = arith.constant 5.000000e-03 : f32
      %mul3A_169 = vector.broadcast %mul3A_168 : f32 to vector<16xf32>
      %mul3A_170 = arith.mulf %add3A_167, %mul3A_169 : vector<16xf32>
      %add3A_171 = arith.addf %mul3A_170, %get3A_118 : vector<16xf32>
      %swap3A = arith.index_cast %add3A_128 : i32 to index
      %swap3A_172 = arith.constant 0 : index
      %swap3A_173 = tpu.vector_load %arg15[%swap3A, %swap3A_172] {strides = array<i32>} : memref<128x16xf32, #tpu.memory_space<vmem>>, vector<1x16xf32>,
      %swap3A_174 = vector.shape_cast %swap3A_173 : vector<1x16xf32> to vector<16xf32>
      %swap3A_175 = vector.shape_cast %add3A_171 : vector<16xf32> to vector<1x16xf32>
      tpu.vector_store %arg15[%swap3A, %swap3A_172], %swap3A_175 {strides = array<i32>} : memref<128x16xf32, #tpu.memory_space<vmem>>, vector<1x16xf32>,
    }
    %scan3A_123 = arith.constant 128 : i32
    "tpu.region"() ({
      %run_scoped3A = tpu.sem_alloc : memref<!tpu.dma_semaphore, #tpu.memory_space<semaphore_mem>>
      %dma_start3A_124 = arith.constant 0 : i32
      %dma_start3A_125 = tpu.memref_slice %arg5[%mul3A_2, %dma_start3A_124] : memref<4096x16xf32, #tpu.memory_space<hbm>> -> memref<128x16xf32, #tpu.memory_space<hbm>>
      %dma_start3A_126 = arith.constant 0 : i32
      %dma_start3A_127 = tpu.memref_slice %arg5[%mul3A_2, %dma_start3A_126] : memref<4096x16xf32, #tpu.memory_space<hbm>> -> memref<128x16xf32, #tpu.memory_space<hbm>>
      tpu.enqueue_dma source(%arg15 : memref<128x16xf32, #tpu.memory_space<vmem>>) target(%dma_start3A_127 : memref<128x16xf32, #tpu.memory_space<hbm>>) target_semaphore(%run_scoped3A : memref<!tpu.dma_semaphore, #tpu.memory_space<semaphore_mem>>)
      %dma_wait3A_128 = arith.constant 0 : i32
      %dma_wait3A_129 = tpu.memref_slice %arg5[%mul3A_2, %dma_wait3A_128] : memref<4096x16xf32, #tpu.memory_space<hbm>> -> memref<128x16xf32, #tpu.memory_space<hbm>>
      %dma_wait3A_130 = arith.constant 0 : i32
      %dma_wait3A_131 = tpu.memref_slice %arg5[%mul3A_2, %dma_wait3A_130] : memref<4096x16xf32, #tpu.memory_space<hbm>> -> memref<128x16xf32, #tpu.memory_space<hbm>>
      tpu.wait_dma2 semaphore(%run_scoped3A : memref<!tpu.dma_semaphore, #tpu.memory_space<semaphore_mem>>) src(%arg15 : memref<128x16xf32, #tpu.memory_space<vmem>>) dst(%dma_wait3A_131 : memref<128x16xf32, #tpu.memory_space<hbm>>)
      tpu.yield
    }) : () -> ()
    return
  }
}

module attributes {stable_mosaic.version = 14 : i64} {
  func.func @_proj_body(%arg0: i32, %arg1: memref<64x32768xf32, #tpu.memory_space<vmem>>, %arg2: memref<16x64xf32, #tpu.memory_space<vmem>>, %arg3: memref<200x4096xi32, #tpu.memory_space<vmem>>, %arg4: memref<4096x128xf32, #tpu.memory_space<vmem>>, %arg5: memref<200x4096xi32, #tpu.memory_space<vmem>>, %arg6: memref<16x32768xf32, #tpu.memory_space<vmem>>) attributes {dimension_semantics = [#tpu.dimension_semantics<arbitrary>], iteration_bounds = array<i64: 31>, scalar_prefetch = 0 : i64, scratch_operands = 1 : i64, tpu.core_type = #tpu.core_type<tc>, window_params = [{transform_indices = @transform_0, window_bounds = array<i64: 64, 32768>}, {pipeline_mode = #tpu.pipeline_mode<synchronous>, transform_indices = @transform_1, window_bounds = array<i64: 16, 64>}, {pipeline_mode = #tpu.pipeline_mode<synchronous>, transform_indices = @transform_2, window_bounds = array<i64: 200, 4096>}, {transform_indices = @transform_3, window_bounds = array<i64: 4096, 128>}, {pipeline_mode = #tpu.pipeline_mode<synchronous>, transform_indices = @transform_4, window_bounds = array<i64: 200, 4096>}]} {
    %get3A = arith.constant 0 : index
    %get3A_0 = arith.constant 0 : index
    %get3A_1 = vector.load %arg2[%get3A, %get3A_0] : memref<16x64xf32, #tpu.memory_space<vmem>>, vector<16x64xf32>
    %get3A_2 = arith.constant 0 : index
    %get3A_3 = arith.constant 0 : index
    %get3A_4 = vector.load %arg1[%get3A_2, %get3A_3] : memref<64x32768xf32, #tpu.memory_space<vmem>>, vector<64x32768xf32>
    %dot_general3A = arith.constant dense<0.000000e+00> : vector<16x32768xf32>
    %dot_general3A_5 = tpu.matmul %get3A_1, %get3A_4, %dot_general3A {dimension_numbers = #tpu.dot_dimension_numbers<[1], [0], [0], [1], [0, 0, 1, 1], [], []>, transpose_lhs_hint = false} : vector<16x64xf32>, vector<64x32768xf32>, vector<16x32768xf32> -> vector<16x32768xf32>
    %swap3A = arith.constant 0 : index
    %swap3A_6 = arith.constant 0 : index
    %swap3A_7 = vector.load %arg6[%swap3A, %swap3A_6] : memref<16x32768xf32, #tpu.memory_space<vmem>>, vector<16x32768xf32>
    tpu.vector_store %arg6[%swap3A, %swap3A_6], %dot_general3A_5 {strides = array<i32>} : memref<16x32768xf32, #tpu.memory_space<vmem>>, vector<16x32768xf32>,
    %get3A_8 = arith.constant 0 : index
    %get3A_9 = arith.constant 0 : index
    %get3A_10 = vector.load %arg6[%get3A_8, %get3A_9] : memref<16x32768xf32, #tpu.memory_space<vmem>>, vector<16x128xf32>
    %get3A_11 = arith.constant 0 : index
    %get3A_12 = arith.constant 128 : index
    %get3A_13 = vector.load %arg6[%get3A_11, %get3A_12] : memref<16x32768xf32, #tpu.memory_space<vmem>>, vector<16x128xf32>
    %get3A_14 = arith.constant 0 : index
    %get3A_15 = arith.constant 256 : index
    %get3A_16 = vector.load %arg6[%get3A_14, %get3A_15] : memref<16x32768xf32, #tpu.memory_space<vmem>>, vector<16x128xf32>
    %get3A_17 = arith.constant 0 : index
    %get3A_18 = arith.constant 384 : index
    %get3A_19 = vector.load %arg6[%get3A_17, %get3A_18] : memref<16x32768xf32, #tpu.memory_space<vmem>>, vector<16x128xf32>
    %get3A_20 = arith.constant 0 : index
    %get3A_21 = arith.constant 512 : index
    %get3A_22 = vector.load %arg6[%get3A_20, %get3A_21] : memref<16x32768xf32, #tpu.memory_space<vmem>>, vector<16x128xf32>
    %get3A_23 = arith.constant 0 : index
    %get3A_24 = arith.constant 640 : index
    %get3A_25 = vector.load %arg6[%get3A_23, %get3A_24] : memref<16x32768xf32, #tpu.memory_space<vmem>>, vector<16x128xf32>
    %get3A_26 = arith.constant 0 : index
    %get3A_27 = arith.constant 768 : index
    %get3A_28 = vector.load %arg6[%get3A_26, %get3A_27] : memref<16x32768xf32, #tpu.memory_space<vmem>>, vector<16x128xf32>
    %get3A_29 = arith.constant 0 : index
    %get3A_30 = arith.constant 896 : index
    %get3A_31 = vector.load %arg6[%get3A_29, %get3A_30] : memref<16x32768xf32, #tpu.memory_space<vmem>>, vector<16x128xf32>
    %concatenate3A = tpu.concatenate %get3A_10, %get3A_13, %get3A_16, %get3A_19, %get3A_22, %get3A_25, %get3A_28, %get3A_31 in 0 : vector<16x128xf32>, vector<16x128xf32>, vector<16x128xf32>, vector<16x128xf32>, vector<16x128xf32>, vector<16x128xf32>, vector<16x128xf32>, vector<16x128xf32> -> vector<128x128xf32>
    %transpose3A = tpu.transpose %concatenate3A, [1, 0] : vector<128x128xf32> -> vector<128x128xf32>
    %swap3A_32 = arith.constant 0 : index
    %swap3A_33 = arith.constant 0 : index
    %swap3A_34 = vector.load %arg4[%swap3A_32, %swap3A_33] : memref<4096x128xf32, #tpu.memory_space<vmem>>, vector<128x128xf32>
    tpu.vector_store %arg4[%swap3A_32, %swap3A_33], %transpose3A {strides = array<i32>} : memref<4096x128xf32, #tpu.memory_space<vmem>>, vector<128x128xf32>,
    %get3A_35 = arith.constant 0 : index
    %get3A_36 = arith.constant 1024 : index
    %get3A_37 = vector.load %arg6[%get3A_35, %get3A_36] : memref<16x32768xf32, #tpu.memory_space<vmem>>, vector<16x128xf32>
    %get3A_38 = arith.constant 0 : index
    %get3A_39 = arith.constant 1152 : index
    %get3A_40 = vector.load %arg6[%get3A_38, %get3A_39] : memref<16x32768xf32, #tpu.memory_space<vmem>>, vector<16x128xf32>
    %get3A_41 = arith.constant 0 : index
    %get3A_42 = arith.constant 1280 : index
    %get3A_43 = vector.load %arg6[%get3A_41, %get3A_42] : memref<16x32768xf32, #tpu.memory_space<vmem>>, vector<16x128xf32>
    %get3A_44 = arith.constant 0 : index
    %get3A_45 = arith.constant 1408 : index
    %get3A_46 = vector.load %arg6[%get3A_44, %get3A_45] : memref<16x32768xf32, #tpu.memory_space<vmem>>, vector<16x128xf32>
    %get3A_47 = arith.constant 0 : index
    %get3A_48 = arith.constant 1536 : index
    %get3A_49 = vector.load %arg6[%get3A_47, %get3A_48] : memref<16x32768xf32, #tpu.memory_space<vmem>>, vector<16x128xf32>
    %get3A_50 = arith.constant 0 : index
    %get3A_51 = arith.constant 1664 : index
    %get3A_52 = vector.load %arg6[%get3A_50, %get3A_51] : memref<16x32768xf32, #tpu.memory_space<vmem>>, vector<16x128xf32>
    %get3A_53 = arith.constant 0 : index
    %get3A_54 = arith.constant 1792 : index
    %get3A_55 = vector.load %arg6[%get3A_53, %get3A_54] : memref<16x32768xf32, #tpu.memory_space<vmem>>, vector<16x128xf32>
    %get3A_56 = arith.constant 0 : index
    %get3A_57 = arith.constant 1920 : index
    %get3A_58 = vector.load %arg6[%get3A_56, %get3A_57] : memref<16x32768xf32, #tpu.memory_space<vmem>>, vector<16x128xf32>
    %concatenate3A_59 = tpu.concatenate %get3A_37, %get3A_40, %get3A_43, %get3A_46, %get3A_49, %get3A_52, %get3A_55, %get3A_58 in 0 : vector<16x128xf32>, vector<16x128xf32>, vector<16x128xf32>, vector<16x128xf32>, vector<16x128xf32>, vector<16x128xf32>, vector<16x128xf32>, vector<16x128xf32> -> vector<128x128xf32>
    %transpose3A_60 = tpu.transpose %concatenate3A_59, [1, 0] : vector<128x128xf32> -> vector<128x128xf32>
    %swap3A_61 = arith.constant 128 : index
    %swap3A_62 = arith.constant 0 : index
    %swap3A_63 = vector.load %arg4[%swap3A_61, %swap3A_62] : memref<4096x128xf32, #tpu.memory_space<vmem>>, vector<128x128xf32>
    tpu.vector_store %arg4[%swap3A_61, %swap3A_62], %transpose3A_60 {strides = array<i32>} : memref<4096x128xf32, #tpu.memory_space<vmem>>, vector<128x128xf32>,
    %get3A_64 = arith.constant 0 : index
    %get3A_65 = arith.constant 2048 : index
    %get3A_66 = vector.load %arg6[%get3A_64, %get3A_65] : memref<16x32768xf32, #tpu.memory_space<vmem>>, vector<16x128xf32>
    %get3A_67 = arith.constant 0 : index
    %get3A_68 = arith.constant 2176 : index
    %get3A_69 = vector.load %arg6[%get3A_67, %get3A_68] : memref<16x32768xf32, #tpu.memory_space<vmem>>, vector<16x128xf32>
    %get3A_70 = arith.constant 0 : index
    %get3A_71 = arith.constant 2304 : index
    %get3A_72 = vector.load %arg6[%get3A_70, %get3A_71] : memref<16x32768xf32, #tpu.memory_space<vmem>>, vector<16x128xf32>
    %get3A_73 = arith.constant 0 : index
    %get3A_74 = arith.constant 2432 : index
    %get3A_75 = vector.load %arg6[%get3A_73, %get3A_74] : memref<16x32768xf32, #tpu.memory_space<vmem>>, vector<16x128xf32>
    %get3A_76 = arith.constant 0 : index
    %get3A_77 = arith.constant 2560 : index
    %get3A_78 = vector.load %arg6[%get3A_76, %get3A_77] : memref<16x32768xf32, #tpu.memory_space<vmem>>, vector<16x128xf32>
    %get3A_79 = arith.constant 0 : index
    %get3A_80 = arith.constant 2688 : index
    %get3A_81 = vector.load %arg6[%get3A_79, %get3A_80] : memref<16x32768xf32, #tpu.memory_space<vmem>>, vector<16x128xf32>
    %get3A_82 = arith.constant 0 : index
    %get3A_83 = arith.constant 2816 : index
    %get3A_84 = vector.load %arg6[%get3A_82, %get3A_83] : memref<16x32768xf32, #tpu.memory_space<vmem>>, vector<16x128xf32>
    %get3A_85 = arith.constant 0 : index
    %get3A_86 = arith.constant 2944 : index
    %get3A_87 = vector.load %arg6[%get3A_85, %get3A_86] : memref<16x32768xf32, #tpu.memory_space<vmem>>, vector<16x128xf32>
    %concatenate3A_88 = tpu.concatenate %get3A_66, %get3A_69, %get3A_72, %get3A_75, %get3A_78, %get3A_81, %get3A_84, %get3A_87 in 0 : vector<16x128xf32>, vector<16x128xf32>, vector<16x128xf32>, vector<16x128xf32>, vector<16x128xf32>, vector<16x128xf32>, vector<16x128xf32>, vector<16x128xf32> -> vector<128x128xf32>
    %transpose3A_89 = tpu.transpose %concatenate3A_88, [1, 0] : vector<128x128xf32> -> vector<128x128xf32>
    %swap3A_90 = arith.constant 256 : index
    %swap3A_91 = arith.constant 0 : index
    %swap3A_92 = vector.load %arg4[%swap3A_90, %swap3A_91] : memref<4096x128xf32, #tpu.memory_space<vmem>>, vector<128x128xf32>
    tpu.vector_store %arg4[%swap3A_90, %swap3A_91], %transpose3A_89 {strides = array<i32>} : memref<4096x128xf32, #tpu.memory_space<vmem>>, vector<128x128xf32>,
    %get3A_93 = arith.constant 0 : index
    %get3A_94 = arith.constant 3072 : index
    %get3A_95 = vector.load %arg6[%get3A_93, %get3A_94] : memref<16x32768xf32, #tpu.memory_space<vmem>>, vector<16x128xf32>
    %get3A_96 = arith.constant 0 : index
    %get3A_97 = arith.constant 3200 : index
    %get3A_98 = vector.load %arg6[%get3A_96, %get3A_97] : memref<16x32768xf32, #tpu.memory_space<vmem>>, vector<16x128xf32>
    %get3A_99 = arith.constant 0 : index
    %get3A_100 = arith.constant 3328 : index
    %get3A_101 = vector.load %arg6[%get3A_99, %get3A_100] : memref<16x32768xf32, #tpu.memory_space<vmem>>, vector<16x128xf32>
    %get3A_102 = arith.constant 0 : index
    %get3A_103 = arith.constant 3456 : index
    %get3A_104 = vector.load %arg6[%get3A_102, %get3A_103] : memref<16x32768xf32, #tpu.memory_space<vmem>>, vector<16x128xf32>
    %get3A_105 = arith.constant 0 : index
    %get3A_106 = arith.constant 3584 : index
    %get3A_107 = vector.load %arg6[%get3A_105, %get3A_106] : memref<16x32768xf32, #tpu.memory_space<vmem>>, vector<16x128xf32>
    %get3A_108 = arith.constant 0 : index
    %get3A_109 = arith.constant 3712 : index
    %get3A_110 = vector.load %arg6[%get3A_108, %get3A_109] : memref<16x32768xf32, #tpu.memory_space<vmem>>, vector<16x128xf32>
    %get3A_111 = arith.constant 0 : index
    %get3A_112 = arith.constant 3840 : index
    %get3A_113 = vector.load %arg6[%get3A_111, %get3A_112] : memref<16x32768xf32, #tpu.memory_space<vmem>>, vector<16x128xf32>
    %get3A_114 = arith.constant 0 : index
    %get3A_115 = arith.constant 3968 : index
    %get3A_116 = vector.load %arg6[%get3A_114, %get3A_115] : memref<16x32768xf32, #tpu.memory_space<vmem>>, vector<16x128xf32>
    %concatenate3A_117 = tpu.concatenate %get3A_95, %get3A_98, %get3A_101, %get3A_104, %get3A_107, %get3A_110, %get3A_113, %get3A_116 in 0 : vector<16x128xf32>, vector<16x128xf32>, vector<16x128xf32>, vector<16x128xf32>, vector<16x128xf32>, vector<16x128xf32>, vector<16x128xf32>, vector<16x128xf32> -> vector<128x128xf32>
    %transpose3A_118 = tpu.transpose %concatenate3A_117, [1, 0] : vector<128x128xf32> -> vector<128x128xf32>
    %swap3A_119 = arith.constant 384 : index
    %swap3A_120 = arith.constant 0 : index
    %swap3A_121 = vector.load %arg4[%swap3A_119, %swap3A_120] : memref<4096x128xf32, #tpu.memory_space<vmem>>, vector<128x128xf32>
    tpu.vector_store %arg4[%swap3A_119, %swap3A_120], %transpose3A_118 {strides = array<i32>} : memref<4096x128xf32, #tpu.memory_space<vmem>>, vector<128x128xf32>,
    %get3A_122 = arith.constant 0 : index
    %get3A_123 = arith.constant 4096 : index
    %get3A_124 = vector.load %arg6[%get3A_122, %get3A_123] : memref<16x32768xf32, #tpu.memory_space<vmem>>, vector<16x128xf32>
    %get3A_125 = arith.constant 0 : index
    %get3A_126 = arith.constant 4224 : index
    %get3A_127 = vector.load %arg6[%get3A_125, %get3A_126] : memref<16x32768xf32, #tpu.memory_space<vmem>>, vector<16x128xf32>
    %get3A_128 = arith.constant 0 : index
    %get3A_129 = arith.constant 4352 : index
    %get3A_130 = vector.load %arg6[%get3A_128, %get3A_129] : memref<16x32768xf32, #tpu.memory_space<vmem>>, vector<16x128xf32>
    %get3A_131 = arith.constant 0 : index
    %get3A_132 = arith.constant 4480 : index
    %get3A_133 = vector.load %arg6[%get3A_131, %get3A_132] : memref<16x32768xf32, #tpu.memory_space<vmem>>, vector<16x128xf32>
    %get3A_134 = arith.constant 0 : index
    %get3A_135 = arith.constant 4608 : index
    %get3A_136 = vector.load %arg6[%get3A_134, %get3A_135] : memref<16x32768xf32, #tpu.memory_space<vmem>>, vector<16x128xf32>
    %get3A_137 = arith.constant 0 : index
    %get3A_138 = arith.constant 4736 : index
    %get3A_139 = vector.load %arg6[%get3A_137, %get3A_138] : memref<16x32768xf32, #tpu.memory_space<vmem>>, vector<16x128xf32>
    %get3A_140 = arith.constant 0 : index
    %get3A_141 = arith.constant 4864 : index
    %get3A_142 = vector.load %arg6[%get3A_140, %get3A_141] : memref<16x32768xf32, #tpu.memory_space<vmem>>, vector<16x128xf32>
    %get3A_143 = arith.constant 0 : index
    %get3A_144 = arith.constant 4992 : index
    %get3A_145 = vector.load %arg6[%get3A_143, %get3A_144] : memref<16x32768xf32, #tpu.memory_space<vmem>>, vector<16x128xf32>
    %concatenate3A_146 = tpu.concatenate %get3A_124, %get3A_127, %get3A_130, %get3A_133, %get3A_136, %get3A_139, %get3A_142, %get3A_145 in 0 : vector<16x128xf32>, vector<16x128xf32>, vector<16x128xf32>, vector<16x128xf32>, vector<16x128xf32>, vector<16x128xf32>, vector<16x128xf32>, vector<16x128xf32> -> vector<128x128xf32>
    %transpose3A_147 = tpu.transpose %concatenate3A_146, [1, 0] : vector<128x128xf32> -> vector<128x128xf32>
    %swap3A_148 = arith.constant 512 : index
    %swap3A_149 = arith.constant 0 : index
    %swap3A_150 = vector.load %arg4[%swap3A_148, %swap3A_149] : memref<4096x128xf32, #tpu.memory_space<vmem>>, vector<128x128xf32>
    tpu.vector_store %arg4[%swap3A_148, %swap3A_149], %transpose3A_147 {strides = array<i32>} : memref<4096x128xf32, #tpu.memory_space<vmem>>, vector<128x128xf32>,
    %get3A_151 = arith.constant 0 : index
    %get3A_152 = arith.constant 5120 : index
    %get3A_153 = vector.load %arg6[%get3A_151, %get3A_152] : memref<16x32768xf32, #tpu.memory_space<vmem>>, vector<16x128xf32>
    %get3A_154 = arith.constant 0 : index
    %get3A_155 = arith.constant 5248 : index
    %get3A_156 = vector.load %arg6[%get3A_154, %get3A_155] : memref<16x32768xf32, #tpu.memory_space<vmem>>, vector<16x128xf32>
    %get3A_157 = arith.constant 0 : index
    %get3A_158 = arith.constant 5376 : index
    %get3A_159 = vector.load %arg6[%get3A_157, %get3A_158] : memref<16x32768xf32, #tpu.memory_space<vmem>>, vector<16x128xf32>
    %get3A_160 = arith.constant 0 : index
    %get3A_161 = arith.constant 5504 : index
    %get3A_162 = vector.load %arg6[%get3A_160, %get3A_161] : memref<16x32768xf32, #tpu.memory_space<vmem>>, vector<16x128xf32>
    %get3A_163 = arith.constant 0 : index
    %get3A_164 = arith.constant 5632 : index
    %get3A_165 = vector.load %arg6[%get3A_163, %get3A_164] : memref<16x32768xf32, #tpu.memory_space<vmem>>, vector<16x128xf32>
    %get3A_166 = arith.constant 0 : index
    %get3A_167 = arith.constant 5760 : index
    %get3A_168 = vector.load %arg6[%get3A_166, %get3A_167] : memref<16x32768xf32, #tpu.memory_space<vmem>>, vector<16x128xf32>
    %get3A_169 = arith.constant 0 : index
    %get3A_170 = arith.constant 5888 : index
    %get3A_171 = vector.load %arg6[%get3A_169, %get3A_170] : memref<16x32768xf32, #tpu.memory_space<vmem>>, vector<16x128xf32>
    %get3A_172 = arith.constant 0 : index
    %get3A_173 = arith.constant 6016 : index
    %get3A_174 = vector.load %arg6[%get3A_172, %get3A_173] : memref<16x32768xf32, #tpu.memory_space<vmem>>, vector<16x128xf32>
    %concatenate3A_175 = tpu.concatenate %get3A_153, %get3A_156, %get3A_159, %get3A_162, %get3A_165, %get3A_168, %get3A_171, %get3A_174 in 0 : vector<16x128xf32>, vector<16x128xf32>, vector<16x128xf32>, vector<16x128xf32>, vector<16x128xf32>, vector<16x128xf32>, vector<16x128xf32>, vector<16x128xf32> -> vector<128x128xf32>
    %transpose3A_176 = tpu.transpose %concatenate3A_175, [1, 0] : vector<128x128xf32> -> vector<128x128xf32>
    %swap3A_177 = arith.constant 640 : index
    %swap3A_178 = arith.constant 0 : index
    %swap3A_179 = vector.load %arg4[%swap3A_177, %swap3A_178] : memref<4096x128xf32, #tpu.memory_space<vmem>>, vector<128x128xf32>
    tpu.vector_store %arg4[%swap3A_177, %swap3A_178], %transpose3A_176 {strides = array<i32>} : memref<4096x128xf32, #tpu.memory_space<vmem>>, vector<128x128xf32>,
    %get3A_180 = arith.constant 0 : index
    %get3A_181 = arith.constant 6144 : index
    %get3A_182 = vector.load %arg6[%get3A_180, %get3A_181] : memref<16x32768xf32, #tpu.memory_space<vmem>>, vector<16x128xf32>
    %get3A_183 = arith.constant 0 : index
    %get3A_184 = arith.constant 6272 : index
    %get3A_185 = vector.load %arg6[%get3A_183, %get3A_184] : memref<16x32768xf32, #tpu.memory_space<vmem>>, vector<16x128xf32>
    %get3A_186 = arith.constant 0 : index
    %get3A_187 = arith.constant 6400 : index
    %get3A_188 = vector.load %arg6[%get3A_186, %get3A_187] : memref<16x32768xf32, #tpu.memory_space<vmem>>, vector<16x128xf32>
    %get3A_189 = arith.constant 0 : index
    %get3A_190 = arith.constant 6528 : index
    %get3A_191 = vector.load %arg6[%get3A_189, %get3A_190] : memref<16x32768xf32, #tpu.memory_space<vmem>>, vector<16x128xf32>
    %get3A_192 = arith.constant 0 : index
    %get3A_193 = arith.constant 6656 : index
    %get3A_194 = vector.load %arg6[%get3A_192, %get3A_193] : memref<16x32768xf32, #tpu.memory_space<vmem>>, vector<16x128xf32>
    %get3A_195 = arith.constant 0 : index
    %get3A_196 = arith.constant 6784 : index
    %get3A_197 = vector.load %arg6[%get3A_195, %get3A_196] : memref<16x32768xf32, #tpu.memory_space<vmem>>, vector<16x128xf32>
    %get3A_198 = arith.constant 0 : index
    %get3A_199 = arith.constant 6912 : index
    %get3A_200 = vector.load %arg6[%get3A_198, %get3A_199] : memref<16x32768xf32, #tpu.memory_space<vmem>>, vector<16x128xf32>
    %get3A_201 = arith.constant 0 : index
    %get3A_202 = arith.constant 7040 : index
    %get3A_203 = vector.load %arg6[%get3A_201, %get3A_202] : memref<16x32768xf32, #tpu.memory_space<vmem>>, vector<16x128xf32>
    %concatenate3A_204 = tpu.concatenate %get3A_182, %get3A_185, %get3A_188, %get3A_191, %get3A_194, %get3A_197, %get3A_200, %get3A_203 in 0 : vector<16x128xf32>, vector<16x128xf32>, vector<16x128xf32>, vector<16x128xf32>, vector<16x128xf32>, vector<16x128xf32>, vector<16x128xf32>, vector<16x128xf32> -> vector<128x128xf32>
    %transpose3A_205 = tpu.transpose %concatenate3A_204, [1, 0] : vector<128x128xf32> -> vector<128x128xf32>
    %swap3A_206 = arith.constant 768 : index
    %swap3A_207 = arith.constant 0 : index
    %swap3A_208 = vector.load %arg4[%swap3A_206, %swap3A_207] : memref<4096x128xf32, #tpu.memory_space<vmem>>, vector<128x128xf32>
    tpu.vector_store %arg4[%swap3A_206, %swap3A_207], %transpose3A_205 {strides = array<i32>} : memref<4096x128xf32, #tpu.memory_space<vmem>>, vector<128x128xf32>,
    %get3A_209 = arith.constant 0 : index
    %get3A_210 = arith.constant 7168 : index
    %get3A_211 = vector.load %arg6[%get3A_209, %get3A_210] : memref<16x32768xf32, #tpu.memory_space<vmem>>, vector<16x128xf32>
    %get3A_212 = arith.constant 0 : index
    %get3A_213 = arith.constant 7296 : index
    %get3A_214 = vector.load %arg6[%get3A_212, %get3A_213] : memref<16x32768xf32, #tpu.memory_space<vmem>>, vector<16x128xf32>
    %get3A_215 = arith.constant 0 : index
    %get3A_216 = arith.constant 7424 : index
    %get3A_217 = vector.load %arg6[%get3A_215, %get3A_216] : memref<16x32768xf32, #tpu.memory_space<vmem>>, vector<16x128xf32>
    %get3A_218 = arith.constant 0 : index
    %get3A_219 = arith.constant 7552 : index
    %get3A_220 = vector.load %arg6[%get3A_218, %get3A_219] : memref<16x32768xf32, #tpu.memory_space<vmem>>, vector<16x128xf32>
    %get3A_221 = arith.constant 0 : index
    %get3A_222 = arith.constant 7680 : index
    %get3A_223 = vector.load %arg6[%get3A_221, %get3A_222] : memref<16x32768xf32, #tpu.memory_space<vmem>>, vector<16x128xf32>
    %get3A_224 = arith.constant 0 : index
    %get3A_225 = arith.constant 7808 : index
    %get3A_226 = vector.load %arg6[%get3A_224, %get3A_225] : memref<16x32768xf32, #tpu.memory_space<vmem>>, vector<16x128xf32>
    %get3A_227 = arith.constant 0 : index
    %get3A_228 = arith.constant 7936 : index
    %get3A_229 = vector.load %arg6[%get3A_227, %get3A_228] : memref<16x32768xf32, #tpu.memory_space<vmem>>, vector<16x128xf32>
    %get3A_230 = arith.constant 0 : index
    %get3A_231 = arith.constant 8064 : index
    %get3A_232 = vector.load %arg6[%get3A_230, %get3A_231] : memref<16x32768xf32, #tpu.memory_space<vmem>>, vector<16x128xf32>
    %concatenate3A_233 = tpu.concatenate %get3A_211, %get3A_214, %get3A_217, %get3A_220, %get3A_223, %get3A_226, %get3A_229, %get3A_232 in 0 : vector<16x128xf32>, vector<16x128xf32>, vector<16x128xf32>, vector<16x128xf32>, vector<16x128xf32>, vector<16x128xf32>, vector<16x128xf32>, vector<16x128xf32> -> vector<128x128xf32>
    %transpose3A_234 = tpu.transpose %concatenate3A_233, [1, 0] : vector<128x128xf32> -> vector<128x128xf32>
    %swap3A_235 = arith.constant 896 : index
    %swap3A_236 = arith.constant 0 : index
    %swap3A_237 = vector.load %arg4[%swap3A_235, %swap3A_236] : memref<4096x128xf32, #tpu.memory_space<vmem>>, vector<128x128xf32>
    tpu.vector_store %arg4[%swap3A_235, %swap3A_236], %transpose3A_234 {strides = array<i32>} : memref<4096x128xf32, #tpu.memory_space<vmem>>, vector<128x128xf32>,
    %get3A_238 = arith.constant 0 : index
    %get3A_239 = arith.constant 8192 : index
    %get3A_240 = vector.load %arg6[%get3A_238, %get3A_239] : memref<16x32768xf32, #tpu.memory_space<vmem>>, vector<16x128xf32>
    %get3A_241 = arith.constant 0 : index
    %get3A_242 = arith.constant 8320 : index
    %get3A_243 = vector.load %arg6[%get3A_241, %get3A_242] : memref<16x32768xf32, #tpu.memory_space<vmem>>, vector<16x128xf32>
    %get3A_244 = arith.constant 0 : index
    %get3A_245 = arith.constant 8448 : index
    %get3A_246 = vector.load %arg6[%get3A_244, %get3A_245] : memref<16x32768xf32, #tpu.memory_space<vmem>>, vector<16x128xf32>
    %get3A_247 = arith.constant 0 : index
    %get3A_248 = arith.constant 8576 : index
    %get3A_249 = vector.load %arg6[%get3A_247, %get3A_248] : memref<16x32768xf32, #tpu.memory_space<vmem>>, vector<16x128xf32>
    %get3A_250 = arith.constant 0 : index
    %get3A_251 = arith.constant 8704 : index
    %get3A_252 = vector.load %arg6[%get3A_250, %get3A_251] : memref<16x32768xf32, #tpu.memory_space<vmem>>, vector<16x128xf32>
    %get3A_253 = arith.constant 0 : index
    %get3A_254 = arith.constant 8832 : index
    %get3A_255 = vector.load %arg6[%get3A_253, %get3A_254] : memref<16x32768xf32, #tpu.memory_space<vmem>>, vector<16x128xf32>
    %get3A_256 = arith.constant 0 : index
    %get3A_257 = arith.constant 8960 : index
    %get3A_258 = vector.load %arg6[%get3A_256, %get3A_257] : memref<16x32768xf32, #tpu.memory_space<vmem>>, vector<16x128xf32>
    %get3A_259 = arith.constant 0 : index
    %get3A_260 = arith.constant 9088 : index
    %get3A_261 = vector.load %arg6[%get3A_259, %get3A_260] : memref<16x32768xf32, #tpu.memory_space<vmem>>, vector<16x128xf32>
    %concatenate3A_262 = tpu.concatenate %get3A_240, %get3A_243, %get3A_246, %get3A_249, %get3A_252, %get3A_255, %get3A_258, %get3A_261 in 0 : vector<16x128xf32>, vector<16x128xf32>, vector<16x128xf32>, vector<16x128xf32>, vector<16x128xf32>, vector<16x128xf32>, vector<16x128xf32>, vector<16x128xf32> -> vector<128x128xf32>
    %transpose3A_263 = tpu.transpose %concatenate3A_262, [1, 0] : vector<128x128xf32> -> vector<128x128xf32>
    %swap3A_264 = arith.constant 1024 : index
    %swap3A_265 = arith.constant 0 : index
    %swap3A_266 = vector.load %arg4[%swap3A_264, %swap3A_265] : memref<4096x128xf32, #tpu.memory_space<vmem>>, vector<128x128xf32>
    tpu.vector_store %arg4[%swap3A_264, %swap3A_265], %transpose3A_263 {strides = array<i32>} : memref<4096x128xf32, #tpu.memory_space<vmem>>, vector<128x128xf32>,
    %get3A_267 = arith.constant 0 : index
    %get3A_268 = arith.constant 9216 : index
    %get3A_269 = vector.load %arg6[%get3A_267, %get3A_268] : memref<16x32768xf32, #tpu.memory_space<vmem>>, vector<16x128xf32>
    %get3A_270 = arith.constant 0 : index
    %get3A_271 = arith.constant 9344 : index
    %get3A_272 = vector.load %arg6[%get3A_270, %get3A_271] : memref<16x32768xf32, #tpu.memory_space<vmem>>, vector<16x128xf32>
    %get3A_273 = arith.constant 0 : index
    %get3A_274 = arith.constant 9472 : index
    %get3A_275 = vector.load %arg6[%get3A_273, %get3A_274] : memref<16x32768xf32, #tpu.memory_space<vmem>>, vector<16x128xf32>
    %get3A_276 = arith.constant 0 : index
    %get3A_277 = arith.constant 9600 : index
    %get3A_278 = vector.load %arg6[%get3A_276, %get3A_277] : memref<16x32768xf32, #tpu.memory_space<vmem>>, vector<16x128xf32>
    %get3A_279 = arith.constant 0 : index
    %get3A_280 = arith.constant 9728 : index
    %get3A_281 = vector.load %arg6[%get3A_279, %get3A_280] : memref<16x32768xf32, #tpu.memory_space<vmem>>, vector<16x128xf32>
    %get3A_282 = arith.constant 0 : index
    %get3A_283 = arith.constant 9856 : index
    %get3A_284 = vector.load %arg6[%get3A_282, %get3A_283] : memref<16x32768xf32, #tpu.memory_space<vmem>>, vector<16x128xf32>
    %get3A_285 = arith.constant 0 : index
    %get3A_286 = arith.constant 9984 : index
    %get3A_287 = vector.load %arg6[%get3A_285, %get3A_286] : memref<16x32768xf32, #tpu.memory_space<vmem>>, vector<16x128xf32>
    %get3A_288 = arith.constant 0 : index
    %get3A_289 = arith.constant 10112 : index
    %get3A_290 = vector.load %arg6[%get3A_288, %get3A_289] : memref<16x32768xf32, #tpu.memory_space<vmem>>, vector<16x128xf32>
    %concatenate3A_291 = tpu.concatenate %get3A_269, %get3A_272, %get3A_275, %get3A_278, %get3A_281, %get3A_284, %get3A_287, %get3A_290 in 0 : vector<16x128xf32>, vector<16x128xf32>, vector<16x128xf32>, vector<16x128xf32>, vector<16x128xf32>, vector<16x128xf32>, vector<16x128xf32>, vector<16x128xf32> -> vector<128x128xf32>
    %transpose3A_292 = tpu.transpose %concatenate3A_291, [1, 0] : vector<128x128xf32> -> vector<128x128xf32>
    %swap3A_293 = arith.constant 1152 : index
    %swap3A_294 = arith.constant 0 : index
    %swap3A_295 = vector.load %arg4[%swap3A_293, %swap3A_294] : memref<4096x128xf32, #tpu.memory_space<vmem>>, vector<128x128xf32>
    tpu.vector_store %arg4[%swap3A_293, %swap3A_294], %transpose3A_292 {strides = array<i32>} : memref<4096x128xf32, #tpu.memory_space<vmem>>, vector<128x128xf32>,
    %get3A_296 = arith.constant 0 : index
    %get3A_297 = arith.constant 10240 : index
    %get3A_298 = vector.load %arg6[%get3A_296, %get3A_297] : memref<16x32768xf32, #tpu.memory_space<vmem>>, vector<16x128xf32>
    %get3A_299 = arith.constant 0 : index
    %get3A_300 = arith.constant 10368 : index
    %get3A_301 = vector.load %arg6[%get3A_299, %get3A_300] : memref<16x32768xf32, #tpu.memory_space<vmem>>, vector<16x128xf32>
    %get3A_302 = arith.constant 0 : index
    %get3A_303 = arith.constant 10496 : index
    %get3A_304 = vector.load %arg6[%get3A_302, %get3A_303] : memref<16x32768xf32, #tpu.memory_space<vmem>>, vector<16x128xf32>
    %get3A_305 = arith.constant 0 : index
    %get3A_306 = arith.constant 10624 : index
    %get3A_307 = vector.load %arg6[%get3A_305, %get3A_306] : memref<16x32768xf32, #tpu.memory_space<vmem>>, vector<16x128xf32>
    %get3A_308 = arith.constant 0 : index
    %get3A_309 = arith.constant 10752 : index
    %get3A_310 = vector.load %arg6[%get3A_308, %get3A_309] : memref<16x32768xf32, #tpu.memory_space<vmem>>, vector<16x128xf32>
    %get3A_311 = arith.constant 0 : index
    %get3A_312 = arith.constant 10880 : index
    %get3A_313 = vector.load %arg6[%get3A_311, %get3A_312] : memref<16x32768xf32, #tpu.memory_space<vmem>>, vector<16x128xf32>
    %get3A_314 = arith.constant 0 : index
    %get3A_315 = arith.constant 11008 : index
    %get3A_316 = vector.load %arg6[%get3A_314, %get3A_315] : memref<16x32768xf32, #tpu.memory_space<vmem>>, vector<16x128xf32>
    %get3A_317 = arith.constant 0 : index
    %get3A_318 = arith.constant 11136 : index
    %get3A_319 = vector.load %arg6[%get3A_317, %get3A_318] : memref<16x32768xf32, #tpu.memory_space<vmem>>, vector<16x128xf32>
    %concatenate3A_320 = tpu.concatenate %get3A_298, %get3A_301, %get3A_304, %get3A_307, %get3A_310, %get3A_313, %get3A_316, %get3A_319 in 0 : vector<16x128xf32>, vector<16x128xf32>, vector<16x128xf32>, vector<16x128xf32>, vector<16x128xf32>, vector<16x128xf32>, vector<16x128xf32>, vector<16x128xf32> -> vector<128x128xf32>
    %transpose3A_321 = tpu.transpose %concatenate3A_320, [1, 0] : vector<128x128xf32> -> vector<128x128xf32>
    %swap3A_322 = arith.constant 1280 : index
    %swap3A_323 = arith.constant 0 : index
    %swap3A_324 = vector.load %arg4[%swap3A_322, %swap3A_323] : memref<4096x128xf32, #tpu.memory_space<vmem>>, vector<128x128xf32>
    tpu.vector_store %arg4[%swap3A_322, %swap3A_323], %transpose3A_321 {strides = array<i32>} : memref<4096x128xf32, #tpu.memory_space<vmem>>, vector<128x128xf32>,
    %get3A_325 = arith.constant 0 : index
    %get3A_326 = arith.constant 11264 : index
    %get3A_327 = vector.load %arg6[%get3A_325, %get3A_326] : memref<16x32768xf32, #tpu.memory_space<vmem>>, vector<16x128xf32>
    %get3A_328 = arith.constant 0 : index
    %get3A_329 = arith.constant 11392 : index
    %get3A_330 = vector.load %arg6[%get3A_328, %get3A_329] : memref<16x32768xf32, #tpu.memory_space<vmem>>, vector<16x128xf32>
    %get3A_331 = arith.constant 0 : index
    %get3A_332 = arith.constant 11520 : index
    %get3A_333 = vector.load %arg6[%get3A_331, %get3A_332] : memref<16x32768xf32, #tpu.memory_space<vmem>>, vector<16x128xf32>
    %get3A_334 = arith.constant 0 : index
    %get3A_335 = arith.constant 11648 : index
    %get3A_336 = vector.load %arg6[%get3A_334, %get3A_335] : memref<16x32768xf32, #tpu.memory_space<vmem>>, vector<16x128xf32>
    %get3A_337 = arith.constant 0 : index
    %get3A_338 = arith.constant 11776 : index
    %get3A_339 = vector.load %arg6[%get3A_337, %get3A_338] : memref<16x32768xf32, #tpu.memory_space<vmem>>, vector<16x128xf32>
    %get3A_340 = arith.constant 0 : index
    %get3A_341 = arith.constant 11904 : index
    %get3A_342 = vector.load %arg6[%get3A_340, %get3A_341] : memref<16x32768xf32, #tpu.memory_space<vmem>>, vector<16x128xf32>
    %get3A_343 = arith.constant 0 : index
    %get3A_344 = arith.constant 12032 : index
    %get3A_345 = vector.load %arg6[%get3A_343, %get3A_344] : memref<16x32768xf32, #tpu.memory_space<vmem>>, vector<16x128xf32>
    %get3A_346 = arith.constant 0 : index
    %get3A_347 = arith.constant 12160 : index
    %get3A_348 = vector.load %arg6[%get3A_346, %get3A_347] : memref<16x32768xf32, #tpu.memory_space<vmem>>, vector<16x128xf32>
    %concatenate3A_349 = tpu.concatenate %get3A_327, %get3A_330, %get3A_333, %get3A_336, %get3A_339, %get3A_342, %get3A_345, %get3A_348 in 0 : vector<16x128xf32>, vector<16x128xf32>, vector<16x128xf32>, vector<16x128xf32>, vector<16x128xf32>, vector<16x128xf32>, vector<16x128xf32>, vector<16x128xf32> -> vector<128x128xf32>
    %transpose3A_350 = tpu.transpose %concatenate3A_349, [1, 0] : vector<128x128xf32> -> vector<128x128xf32>
    %swap3A_351 = arith.constant 1408 : index
    %swap3A_352 = arith.constant 0 : index
    %swap3A_353 = vector.load %arg4[%swap3A_351, %swap3A_352] : memref<4096x128xf32, #tpu.memory_space<vmem>>, vector<128x128xf32>
    tpu.vector_store %arg4[%swap3A_351, %swap3A_352], %transpose3A_350 {strides = array<i32>} : memref<4096x128xf32, #tpu.memory_space<vmem>>, vector<128x128xf32>,
    %get3A_354 = arith.constant 0 : index
    %get3A_355 = arith.constant 12288 : index
    %get3A_356 = vector.load %arg6[%get3A_354, %get3A_355] : memref<16x32768xf32, #tpu.memory_space<vmem>>, vector<16x128xf32>
    %get3A_357 = arith.constant 0 : index
    %get3A_358 = arith.constant 12416 : index
    %get3A_359 = vector.load %arg6[%get3A_357, %get3A_358] : memref<16x32768xf32, #tpu.memory_space<vmem>>, vector<16x128xf32>
    %get3A_360 = arith.constant 0 : index
    %get3A_361 = arith.constant 12544 : index
    %get3A_362 = vector.load %arg6[%get3A_360, %get3A_361] : memref<16x32768xf32, #tpu.memory_space<vmem>>, vector<16x128xf32>
    %get3A_363 = arith.constant 0 : index
    %get3A_364 = arith.constant 12672 : index
    %get3A_365 = vector.load %arg6[%get3A_363, %get3A_364] : memref<16x32768xf32, #tpu.memory_space<vmem>>, vector<16x128xf32>
    %get3A_366 = arith.constant 0 : index
    %get3A_367 = arith.constant 12800 : index
    %get3A_368 = vector.load %arg6[%get3A_366, %get3A_367] : memref<16x32768xf32, #tpu.memory_space<vmem>>, vector<16x128xf32>
    %get3A_369 = arith.constant 0 : index
    %get3A_370 = arith.constant 12928 : index
    %get3A_371 = vector.load %arg6[%get3A_369, %get3A_370] : memref<16x32768xf32, #tpu.memory_space<vmem>>, vector<16x128xf32>
    %get3A_372 = arith.constant 0 : index
    %get3A_373 = arith.constant 13056 : index
    %get3A_374 = vector.load %arg6[%get3A_372, %get3A_373] : memref<16x32768xf32, #tpu.memory_space<vmem>>, vector<16x128xf32>
    %get3A_375 = arith.constant 0 : index
    %get3A_376 = arith.constant 13184 : index
    %get3A_377 = vector.load %arg6[%get3A_375, %get3A_376] : memref<16x32768xf32, #tpu.memory_space<vmem>>, vector<16x128xf32>
    %concatenate3A_378 = tpu.concatenate %get3A_356, %get3A_359, %get3A_362, %get3A_365, %get3A_368, %get3A_371, %get3A_374, %get3A_377 in 0 : vector<16x128xf32>, vector<16x128xf32>, vector<16x128xf32>, vector<16x128xf32>, vector<16x128xf32>, vector<16x128xf32>, vector<16x128xf32>, vector<16x128xf32> -> vector<128x128xf32>
    %transpose3A_379 = tpu.transpose %concatenate3A_378, [1, 0] : vector<128x128xf32> -> vector<128x128xf32>
    %swap3A_380 = arith.constant 1536 : index
    %swap3A_381 = arith.constant 0 : index
    %swap3A_382 = vector.load %arg4[%swap3A_380, %swap3A_381] : memref<4096x128xf32, #tpu.memory_space<vmem>>, vector<128x128xf32>
    tpu.vector_store %arg4[%swap3A_380, %swap3A_381], %transpose3A_379 {strides = array<i32>} : memref<4096x128xf32, #tpu.memory_space<vmem>>, vector<128x128xf32>,
    %get3A_383 = arith.constant 0 : index
    %get3A_384 = arith.constant 13312 : index
    %get3A_385 = vector.load %arg6[%get3A_383, %get3A_384] : memref<16x32768xf32, #tpu.memory_space<vmem>>, vector<16x128xf32>
    %get3A_386 = arith.constant 0 : index
    %get3A_387 = arith.constant 13440 : index
    %get3A_388 = vector.load %arg6[%get3A_386, %get3A_387] : memref<16x32768xf32, #tpu.memory_space<vmem>>, vector<16x128xf32>
    %get3A_389 = arith.constant 0 : index
    %get3A_390 = arith.constant 13568 : index
    %get3A_391 = vector.load %arg6[%get3A_389, %get3A_390] : memref<16x32768xf32, #tpu.memory_space<vmem>>, vector<16x128xf32>
    %get3A_392 = arith.constant 0 : index
    %get3A_393 = arith.constant 13696 : index
    %get3A_394 = vector.load %arg6[%get3A_392, %get3A_393] : memref<16x32768xf32, #tpu.memory_space<vmem>>, vector<16x128xf32>
    %get3A_395 = arith.constant 0 : index
    %get3A_396 = arith.constant 13824 : index
    %get3A_397 = vector.load %arg6[%get3A_395, %get3A_396] : memref<16x32768xf32, #tpu.memory_space<vmem>>, vector<16x128xf32>
    %get3A_398 = arith.constant 0 : index
    %get3A_399 = arith.constant 13952 : index
    %get3A_400 = vector.load %arg6[%get3A_398, %get3A_399] : memref<16x32768xf32, #tpu.memory_space<vmem>>, vector<16x128xf32>
    %get3A_401 = arith.constant 0 : index
    %get3A_402 = arith.constant 14080 : index
    %get3A_403 = vector.load %arg6[%get3A_401, %get3A_402] : memref<16x32768xf32, #tpu.memory_space<vmem>>, vector<16x128xf32>
    %get3A_404 = arith.constant 0 : index
    %get3A_405 = arith.constant 14208 : index
    %get3A_406 = vector.load %arg6[%get3A_404, %get3A_405] : memref<16x32768xf32, #tpu.memory_space<vmem>>, vector<16x128xf32>
    %concatenate3A_407 = tpu.concatenate %get3A_385, %get3A_388, %get3A_391, %get3A_394, %get3A_397, %get3A_400, %get3A_403, %get3A_406 in 0 : vector<16x128xf32>, vector<16x128xf32>, vector<16x128xf32>, vector<16x128xf32>, vector<16x128xf32>, vector<16x128xf32>, vector<16x128xf32>, vector<16x128xf32> -> vector<128x128xf32>
    %transpose3A_408 = tpu.transpose %concatenate3A_407, [1, 0] : vector<128x128xf32> -> vector<128x128xf32>
    %swap3A_409 = arith.constant 1664 : index
    %swap3A_410 = arith.constant 0 : index
    %swap3A_411 = vector.load %arg4[%swap3A_409, %swap3A_410] : memref<4096x128xf32, #tpu.memory_space<vmem>>, vector<128x128xf32>
    tpu.vector_store %arg4[%swap3A_409, %swap3A_410], %transpose3A_408 {strides = array<i32>} : memref<4096x128xf32, #tpu.memory_space<vmem>>, vector<128x128xf32>,
    %get3A_412 = arith.constant 0 : index
    %get3A_413 = arith.constant 14336 : index
    %get3A_414 = vector.load %arg6[%get3A_412, %get3A_413] : memref<16x32768xf32, #tpu.memory_space<vmem>>, vector<16x128xf32>
    %get3A_415 = arith.constant 0 : index
    %get3A_416 = arith.constant 14464 : index
    %get3A_417 = vector.load %arg6[%get3A_415, %get3A_416] : memref<16x32768xf32, #tpu.memory_space<vmem>>, vector<16x128xf32>
    %get3A_418 = arith.constant 0 : index
    %get3A_419 = arith.constant 14592 : index
    %get3A_420 = vector.load %arg6[%get3A_418, %get3A_419] : memref<16x32768xf32, #tpu.memory_space<vmem>>, vector<16x128xf32>
    %get3A_421 = arith.constant 0 : index
    %get3A_422 = arith.constant 14720 : index
    %get3A_423 = vector.load %arg6[%get3A_421, %get3A_422] : memref<16x32768xf32, #tpu.memory_space<vmem>>, vector<16x128xf32>
    %get3A_424 = arith.constant 0 : index
    %get3A_425 = arith.constant 14848 : index
    %get3A_426 = vector.load %arg6[%get3A_424, %get3A_425] : memref<16x32768xf32, #tpu.memory_space<vmem>>, vector<16x128xf32>
    %get3A_427 = arith.constant 0 : index
    %get3A_428 = arith.constant 14976 : index
    %get3A_429 = vector.load %arg6[%get3A_427, %get3A_428] : memref<16x32768xf32, #tpu.memory_space<vmem>>, vector<16x128xf32>
    %get3A_430 = arith.constant 0 : index
    %get3A_431 = arith.constant 15104 : index
    %get3A_432 = vector.load %arg6[%get3A_430, %get3A_431] : memref<16x32768xf32, #tpu.memory_space<vmem>>, vector<16x128xf32>
    %get3A_433 = arith.constant 0 : index
    %get3A_434 = arith.constant 15232 : index
    %get3A_435 = vector.load %arg6[%get3A_433, %get3A_434] : memref<16x32768xf32, #tpu.memory_space<vmem>>, vector<16x128xf32>
    %concatenate3A_436 = tpu.concatenate %get3A_414, %get3A_417, %get3A_420, %get3A_423, %get3A_426, %get3A_429, %get3A_432, %get3A_435 in 0 : vector<16x128xf32>, vector<16x128xf32>, vector<16x128xf32>, vector<16x128xf32>, vector<16x128xf32>, vector<16x128xf32>, vector<16x128xf32>, vector<16x128xf32> -> vector<128x128xf32>
    %transpose3A_437 = tpu.transpose %concatenate3A_436, [1, 0] : vector<128x128xf32> -> vector<128x128xf32>
    %swap3A_438 = arith.constant 1792 : index
    %swap3A_439 = arith.constant 0 : index
    %swap3A_440 = vector.load %arg4[%swap3A_438, %swap3A_439] : memref<4096x128xf32, #tpu.memory_space<vmem>>, vector<128x128xf32>
    tpu.vector_store %arg4[%swap3A_438, %swap3A_439], %transpose3A_437 {strides = array<i32>} : memref<4096x128xf32, #tpu.memory_space<vmem>>, vector<128x128xf32>,
    %get3A_441 = arith.constant 0 : index
    %get3A_442 = arith.constant 15360 : index
    %get3A_443 = vector.load %arg6[%get3A_441, %get3A_442] : memref<16x32768xf32, #tpu.memory_space<vmem>>, vector<16x128xf32>
    %get3A_444 = arith.constant 0 : index
    %get3A_445 = arith.constant 15488 : index
    %get3A_446 = vector.load %arg6[%get3A_444, %get3A_445] : memref<16x32768xf32, #tpu.memory_space<vmem>>, vector<16x128xf32>
    %get3A_447 = arith.constant 0 : index
    %get3A_448 = arith.constant 15616 : index
    %get3A_449 = vector.load %arg6[%get3A_447, %get3A_448] : memref<16x32768xf32, #tpu.memory_space<vmem>>, vector<16x128xf32>
    %get3A_450 = arith.constant 0 : index
    %get3A_451 = arith.constant 15744 : index
    %get3A_452 = vector.load %arg6[%get3A_450, %get3A_451] : memref<16x32768xf32, #tpu.memory_space<vmem>>, vector<16x128xf32>
    %get3A_453 = arith.constant 0 : index
    %get3A_454 = arith.constant 15872 : index
    %get3A_455 = vector.load %arg6[%get3A_453, %get3A_454] : memref<16x32768xf32, #tpu.memory_space<vmem>>, vector<16x128xf32>
    %get3A_456 = arith.constant 0 : index
    %get3A_457 = arith.constant 16000 : index
    %get3A_458 = vector.load %arg6[%get3A_456, %get3A_457] : memref<16x32768xf32, #tpu.memory_space<vmem>>, vector<16x128xf32>
    %get3A_459 = arith.constant 0 : index
    %get3A_460 = arith.constant 16128 : index
    %get3A_461 = vector.load %arg6[%get3A_459, %get3A_460] : memref<16x32768xf32, #tpu.memory_space<vmem>>, vector<16x128xf32>
    %get3A_462 = arith.constant 0 : index
    %get3A_463 = arith.constant 16256 : index
    %get3A_464 = vector.load %arg6[%get3A_462, %get3A_463] : memref<16x32768xf32, #tpu.memory_space<vmem>>, vector<16x128xf32>
    %concatenate3A_465 = tpu.concatenate %get3A_443, %get3A_446, %get3A_449, %get3A_452, %get3A_455, %get3A_458, %get3A_461, %get3A_464 in 0 : vector<16x128xf32>, vector<16x128xf32>, vector<16x128xf32>, vector<16x128xf32>, vector<16x128xf32>, vector<16x128xf32>, vector<16x128xf32>, vector<16x128xf32> -> vector<128x128xf32>
    %transpose3A_466 = tpu.transpose %concatenate3A_465, [1, 0] : vector<128x128xf32> -> vector<128x128xf32>
    %swap3A_467 = arith.constant 1920 : index
    %swap3A_468 = arith.constant 0 : index
    %swap3A_469 = vector.load %arg4[%swap3A_467, %swap3A_468] : memref<4096x128xf32, #tpu.memory_space<vmem>>, vector<128x128xf32>
    tpu.vector_store %arg4[%swap3A_467, %swap3A_468], %transpose3A_466 {strides = array<i32>} : memref<4096x128xf32, #tpu.memory_space<vmem>>, vector<128x128xf32>,
    %get3A_470 = arith.constant 0 : index
    %get3A_471 = arith.constant 16384 : index
    %get3A_472 = vector.load %arg6[%get3A_470, %get3A_471] : memref<16x32768xf32, #tpu.memory_space<vmem>>, vector<16x128xf32>
    %get3A_473 = arith.constant 0 : index
    %get3A_474 = arith.constant 16512 : index
    %get3A_475 = vector.load %arg6[%get3A_473, %get3A_474] : memref<16x32768xf32, #tpu.memory_space<vmem>>, vector<16x128xf32>
    %get3A_476 = arith.constant 0 : index
    %get3A_477 = arith.constant 16640 : index
    %get3A_478 = vector.load %arg6[%get3A_476, %get3A_477] : memref<16x32768xf32, #tpu.memory_space<vmem>>, vector<16x128xf32>
    %get3A_479 = arith.constant 0 : index
    %get3A_480 = arith.constant 16768 : index
    %get3A_481 = vector.load %arg6[%get3A_479, %get3A_480] : memref<16x32768xf32, #tpu.memory_space<vmem>>, vector<16x128xf32>
    %get3A_482 = arith.constant 0 : index
    %get3A_483 = arith.constant 16896 : index
    %get3A_484 = vector.load %arg6[%get3A_482, %get3A_483] : memref<16x32768xf32, #tpu.memory_space<vmem>>, vector<16x128xf32>
    %get3A_485 = arith.constant 0 : index
    %get3A_486 = arith.constant 17024 : index
    %get3A_487 = vector.load %arg6[%get3A_485, %get3A_486] : memref<16x32768xf32, #tpu.memory_space<vmem>>, vector<16x128xf32>
    %get3A_488 = arith.constant 0 : index
    %get3A_489 = arith.constant 17152 : index
    %get3A_490 = vector.load %arg6[%get3A_488, %get3A_489] : memref<16x32768xf32, #tpu.memory_space<vmem>>, vector<16x128xf32>
    %get3A_491 = arith.constant 0 : index
    %get3A_492 = arith.constant 17280 : index
    %get3A_493 = vector.load %arg6[%get3A_491, %get3A_492] : memref<16x32768xf32, #tpu.memory_space<vmem>>, vector<16x128xf32>
    %concatenate3A_494 = tpu.concatenate %get3A_472, %get3A_475, %get3A_478, %get3A_481, %get3A_484, %get3A_487, %get3A_490, %get3A_493 in 0 : vector<16x128xf32>, vector<16x128xf32>, vector<16x128xf32>, vector<16x128xf32>, vector<16x128xf32>, vector<16x128xf32>, vector<16x128xf32>, vector<16x128xf32> -> vector<128x128xf32>
    %transpose3A_495 = tpu.transpose %concatenate3A_494, [1, 0] : vector<128x128xf32> -> vector<128x128xf32>
    %swap3A_496 = arith.constant 2048 : index
    %swap3A_497 = arith.constant 0 : index
    %swap3A_498 = vector.load %arg4[%swap3A_496, %swap3A_497] : memref<4096x128xf32, #tpu.memory_space<vmem>>, vector<128x128xf32>
    tpu.vector_store %arg4[%swap3A_496, %swap3A_497], %transpose3A_495 {strides = array<i32>} : memref<4096x128xf32, #tpu.memory_space<vmem>>, vector<128x128xf32>,
    %get3A_499 = arith.constant 0 : index
    %get3A_500 = arith.constant 17408 : index
    %get3A_501 = vector.load %arg6[%get3A_499, %get3A_500] : memref<16x32768xf32, #tpu.memory_space<vmem>>, vector<16x128xf32>
    %get3A_502 = arith.constant 0 : index
    %get3A_503 = arith.constant 17536 : index
    %get3A_504 = vector.load %arg6[%get3A_502, %get3A_503] : memref<16x32768xf32, #tpu.memory_space<vmem>>, vector<16x128xf32>
    %get3A_505 = arith.constant 0 : index
    %get3A_506 = arith.constant 17664 : index
    %get3A_507 = vector.load %arg6[%get3A_505, %get3A_506] : memref<16x32768xf32, #tpu.memory_space<vmem>>, vector<16x128xf32>
    %get3A_508 = arith.constant 0 : index
    %get3A_509 = arith.constant 17792 : index
    %get3A_510 = vector.load %arg6[%get3A_508, %get3A_509] : memref<16x32768xf32, #tpu.memory_space<vmem>>, vector<16x128xf32>
    %get3A_511 = arith.constant 0 : index
    %get3A_512 = arith.constant 17920 : index
    %get3A_513 = vector.load %arg6[%get3A_511, %get3A_512] : memref<16x32768xf32, #tpu.memory_space<vmem>>, vector<16x128xf32>
    %get3A_514 = arith.constant 0 : index
    %get3A_515 = arith.constant 18048 : index
    %get3A_516 = vector.load %arg6[%get3A_514, %get3A_515] : memref<16x32768xf32, #tpu.memory_space<vmem>>, vector<16x128xf32>
    %get3A_517 = arith.constant 0 : index
    %get3A_518 = arith.constant 18176 : index
    %get3A_519 = vector.load %arg6[%get3A_517, %get3A_518] : memref<16x32768xf32, #tpu.memory_space<vmem>>, vector<16x128xf32>
    %get3A_520 = arith.constant 0 : index
    %get3A_521 = arith.constant 18304 : index
    %get3A_522 = vector.load %arg6[%get3A_520, %get3A_521] : memref<16x32768xf32, #tpu.memory_space<vmem>>, vector<16x128xf32>
    %concatenate3A_523 = tpu.concatenate %get3A_501, %get3A_504, %get3A_507, %get3A_510, %get3A_513, %get3A_516, %get3A_519, %get3A_522 in 0 : vector<16x128xf32>, vector<16x128xf32>, vector<16x128xf32>, vector<16x128xf32>, vector<16x128xf32>, vector<16x128xf32>, vector<16x128xf32>, vector<16x128xf32> -> vector<128x128xf32>
    %transpose3A_524 = tpu.transpose %concatenate3A_523, [1, 0] : vector<128x128xf32> -> vector<128x128xf32>
    %swap3A_525 = arith.constant 2176 : index
    %swap3A_526 = arith.constant 0 : index
    %swap3A_527 = vector.load %arg4[%swap3A_525, %swap3A_526] : memref<4096x128xf32, #tpu.memory_space<vmem>>, vector<128x128xf32>
    tpu.vector_store %arg4[%swap3A_525, %swap3A_526], %transpose3A_524 {strides = array<i32>} : memref<4096x128xf32, #tpu.memory_space<vmem>>, vector<128x128xf32>,
    %get3A_528 = arith.constant 0 : index
    %get3A_529 = arith.constant 18432 : index
    %get3A_530 = vector.load %arg6[%get3A_528, %get3A_529] : memref<16x32768xf32, #tpu.memory_space<vmem>>, vector<16x128xf32>
    %get3A_531 = arith.constant 0 : index
    %get3A_532 = arith.constant 18560 : index
    %get3A_533 = vector.load %arg6[%get3A_531, %get3A_532] : memref<16x32768xf32, #tpu.memory_space<vmem>>, vector<16x128xf32>
    %get3A_534 = arith.constant 0 : index
    %get3A_535 = arith.constant 18688 : index
    %get3A_536 = vector.load %arg6[%get3A_534, %get3A_535] : memref<16x32768xf32, #tpu.memory_space<vmem>>, vector<16x128xf32>
    %get3A_537 = arith.constant 0 : index
    %get3A_538 = arith.constant 18816 : index
    %get3A_539 = vector.load %arg6[%get3A_537, %get3A_538] : memref<16x32768xf32, #tpu.memory_space<vmem>>, vector<16x128xf32>
    %get3A_540 = arith.constant 0 : index
    %get3A_541 = arith.constant 18944 : index
    %get3A_542 = vector.load %arg6[%get3A_540, %get3A_541] : memref<16x32768xf32, #tpu.memory_space<vmem>>, vector<16x128xf32>
    %get3A_543 = arith.constant 0 : index
    %get3A_544 = arith.constant 19072 : index
    %get3A_545 = vector.load %arg6[%get3A_543, %get3A_544] : memref<16x32768xf32, #tpu.memory_space<vmem>>, vector<16x128xf32>
    %get3A_546 = arith.constant 0 : index
    %get3A_547 = arith.constant 19200 : index
    %get3A_548 = vector.load %arg6[%get3A_546, %get3A_547] : memref<16x32768xf32, #tpu.memory_space<vmem>>, vector<16x128xf32>
    %get3A_549 = arith.constant 0 : index
    %get3A_550 = arith.constant 19328 : index
    %get3A_551 = vector.load %arg6[%get3A_549, %get3A_550] : memref<16x32768xf32, #tpu.memory_space<vmem>>, vector<16x128xf32>
    %concatenate3A_552 = tpu.concatenate %get3A_530, %get3A_533, %get3A_536, %get3A_539, %get3A_542, %get3A_545, %get3A_548, %get3A_551 in 0 : vector<16x128xf32>, vector<16x128xf32>, vector<16x128xf32>, vector<16x128xf32>, vector<16x128xf32>, vector<16x128xf32>, vector<16x128xf32>, vector<16x128xf32> -> vector<128x128xf32>
    %transpose3A_553 = tpu.transpose %concatenate3A_552, [1, 0] : vector<128x128xf32> -> vector<128x128xf32>
    %swap3A_554 = arith.constant 2304 : index
    %swap3A_555 = arith.constant 0 : index
    %swap3A_556 = vector.load %arg4[%swap3A_554, %swap3A_555] : memref<4096x128xf32, #tpu.memory_space<vmem>>, vector<128x128xf32>
    tpu.vector_store %arg4[%swap3A_554, %swap3A_555], %transpose3A_553 {strides = array<i32>} : memref<4096x128xf32, #tpu.memory_space<vmem>>, vector<128x128xf32>,
    %get3A_557 = arith.constant 0 : index
    %get3A_558 = arith.constant 19456 : index
    %get3A_559 = vector.load %arg6[%get3A_557, %get3A_558] : memref<16x32768xf32, #tpu.memory_space<vmem>>, vector<16x128xf32>
    %get3A_560 = arith.constant 0 : index
    %get3A_561 = arith.constant 19584 : index
    %get3A_562 = vector.load %arg6[%get3A_560, %get3A_561] : memref<16x32768xf32, #tpu.memory_space<vmem>>, vector<16x128xf32>
    %get3A_563 = arith.constant 0 : index
    %get3A_564 = arith.constant 19712 : index
    %get3A_565 = vector.load %arg6[%get3A_563, %get3A_564] : memref<16x32768xf32, #tpu.memory_space<vmem>>, vector<16x128xf32>
    %get3A_566 = arith.constant 0 : index
    %get3A_567 = arith.constant 19840 : index
    %get3A_568 = vector.load %arg6[%get3A_566, %get3A_567] : memref<16x32768xf32, #tpu.memory_space<vmem>>, vector<16x128xf32>
    %get3A_569 = arith.constant 0 : index
    %get3A_570 = arith.constant 19968 : index
    %get3A_571 = vector.load %arg6[%get3A_569, %get3A_570] : memref<16x32768xf32, #tpu.memory_space<vmem>>, vector<16x128xf32>
    %get3A_572 = arith.constant 0 : index
    %get3A_573 = arith.constant 20096 : index
    %get3A_574 = vector.load %arg6[%get3A_572, %get3A_573] : memref<16x32768xf32, #tpu.memory_space<vmem>>, vector<16x128xf32>
    %get3A_575 = arith.constant 0 : index
    %get3A_576 = arith.constant 20224 : index
    %get3A_577 = vector.load %arg6[%get3A_575, %get3A_576] : memref<16x32768xf32, #tpu.memory_space<vmem>>, vector<16x128xf32>
    %get3A_578 = arith.constant 0 : index
    %get3A_579 = arith.constant 20352 : index
    %get3A_580 = vector.load %arg6[%get3A_578, %get3A_579] : memref<16x32768xf32, #tpu.memory_space<vmem>>, vector<16x128xf32>
    %concatenate3A_581 = tpu.concatenate %get3A_559, %get3A_562, %get3A_565, %get3A_568, %get3A_571, %get3A_574, %get3A_577, %get3A_580 in 0 : vector<16x128xf32>, vector<16x128xf32>, vector<16x128xf32>, vector<16x128xf32>, vector<16x128xf32>, vector<16x128xf32>, vector<16x128xf32>, vector<16x128xf32> -> vector<128x128xf32>
    %transpose3A_582 = tpu.transpose %concatenate3A_581, [1, 0] : vector<128x128xf32> -> vector<128x128xf32>
    %swap3A_583 = arith.constant 2432 : index
    %swap3A_584 = arith.constant 0 : index
    %swap3A_585 = vector.load %arg4[%swap3A_583, %swap3A_584] : memref<4096x128xf32, #tpu.memory_space<vmem>>, vector<128x128xf32>
    tpu.vector_store %arg4[%swap3A_583, %swap3A_584], %transpose3A_582 {strides = array<i32>} : memref<4096x128xf32, #tpu.memory_space<vmem>>, vector<128x128xf32>,
    %get3A_586 = arith.constant 0 : index
    %get3A_587 = arith.constant 20480 : index
    %get3A_588 = vector.load %arg6[%get3A_586, %get3A_587] : memref<16x32768xf32, #tpu.memory_space<vmem>>, vector<16x128xf32>
    %get3A_589 = arith.constant 0 : index
    %get3A_590 = arith.constant 20608 : index
    %get3A_591 = vector.load %arg6[%get3A_589, %get3A_590] : memref<16x32768xf32, #tpu.memory_space<vmem>>, vector<16x128xf32>
    %get3A_592 = arith.constant 0 : index
    %get3A_593 = arith.constant 20736 : index
    %get3A_594 = vector.load %arg6[%get3A_592, %get3A_593] : memref<16x32768xf32, #tpu.memory_space<vmem>>, vector<16x128xf32>
    %get3A_595 = arith.constant 0 : index
    %get3A_596 = arith.constant 20864 : index
    %get3A_597 = vector.load %arg6[%get3A_595, %get3A_596] : memref<16x32768xf32, #tpu.memory_space<vmem>>, vector<16x128xf32>
    %get3A_598 = arith.constant 0 : index
    %get3A_599 = arith.constant 20992 : index
    %get3A_600 = vector.load %arg6[%get3A_598, %get3A_599] : memref<16x32768xf32, #tpu.memory_space<vmem>>, vector<16x128xf32>
    %get3A_601 = arith.constant 0 : index
    %get3A_602 = arith.constant 21120 : index
    %get3A_603 = vector.load %arg6[%get3A_601, %get3A_602] : memref<16x32768xf32, #tpu.memory_space<vmem>>, vector<16x128xf32>
    %get3A_604 = arith.constant 0 : index
    %get3A_605 = arith.constant 21248 : index
    %get3A_606 = vector.load %arg6[%get3A_604, %get3A_605] : memref<16x32768xf32, #tpu.memory_space<vmem>>, vector<16x128xf32>
    %get3A_607 = arith.constant 0 : index
    %get3A_608 = arith.constant 21376 : index
    %get3A_609 = vector.load %arg6[%get3A_607, %get3A_608] : memref<16x32768xf32, #tpu.memory_space<vmem>>, vector<16x128xf32>
    %concatenate3A_610 = tpu.concatenate %get3A_588, %get3A_591, %get3A_594, %get3A_597, %get3A_600, %get3A_603, %get3A_606, %get3A_609 in 0 : vector<16x128xf32>, vector<16x128xf32>, vector<16x128xf32>, vector<16x128xf32>, vector<16x128xf32>, vector<16x128xf32>, vector<16x128xf32>, vector<16x128xf32> -> vector<128x128xf32>
    %transpose3A_611 = tpu.transpose %concatenate3A_610, [1, 0] : vector<128x128xf32> -> vector<128x128xf32>
    %swap3A_612 = arith.constant 2560 : index
    %swap3A_613 = arith.constant 0 : index
    %swap3A_614 = vector.load %arg4[%swap3A_612, %swap3A_613] : memref<4096x128xf32, #tpu.memory_space<vmem>>, vector<128x128xf32>
    tpu.vector_store %arg4[%swap3A_612, %swap3A_613], %transpose3A_611 {strides = array<i32>} : memref<4096x128xf32, #tpu.memory_space<vmem>>, vector<128x128xf32>,
    %get3A_615 = arith.constant 0 : index
    %get3A_616 = arith.constant 21504 : index
    %get3A_617 = vector.load %arg6[%get3A_615, %get3A_616] : memref<16x32768xf32, #tpu.memory_space<vmem>>, vector<16x128xf32>
    %get3A_618 = arith.constant 0 : index
    %get3A_619 = arith.constant 21632 : index
    %get3A_620 = vector.load %arg6[%get3A_618, %get3A_619] : memref<16x32768xf32, #tpu.memory_space<vmem>>, vector<16x128xf32>
    %get3A_621 = arith.constant 0 : index
    %get3A_622 = arith.constant 21760 : index
    %get3A_623 = vector.load %arg6[%get3A_621, %get3A_622] : memref<16x32768xf32, #tpu.memory_space<vmem>>, vector<16x128xf32>
    %get3A_624 = arith.constant 0 : index
    %get3A_625 = arith.constant 21888 : index
    %get3A_626 = vector.load %arg6[%get3A_624, %get3A_625] : memref<16x32768xf32, #tpu.memory_space<vmem>>, vector<16x128xf32>
    %get3A_627 = arith.constant 0 : index
    %get3A_628 = arith.constant 22016 : index
    %get3A_629 = vector.load %arg6[%get3A_627, %get3A_628] : memref<16x32768xf32, #tpu.memory_space<vmem>>, vector<16x128xf32>
    %get3A_630 = arith.constant 0 : index
    %get3A_631 = arith.constant 22144 : index
    %get3A_632 = vector.load %arg6[%get3A_630, %get3A_631] : memref<16x32768xf32, #tpu.memory_space<vmem>>, vector<16x128xf32>
    %get3A_633 = arith.constant 0 : index
    %get3A_634 = arith.constant 22272 : index
    %get3A_635 = vector.load %arg6[%get3A_633, %get3A_634] : memref<16x32768xf32, #tpu.memory_space<vmem>>, vector<16x128xf32>
    %get3A_636 = arith.constant 0 : index
    %get3A_637 = arith.constant 22400 : index
    %get3A_638 = vector.load %arg6[%get3A_636, %get3A_637] : memref<16x32768xf32, #tpu.memory_space<vmem>>, vector<16x128xf32>
    %concatenate3A_639 = tpu.concatenate %get3A_617, %get3A_620, %get3A_623, %get3A_626, %get3A_629, %get3A_632, %get3A_635, %get3A_638 in 0 : vector<16x128xf32>, vector<16x128xf32>, vector<16x128xf32>, vector<16x128xf32>, vector<16x128xf32>, vector<16x128xf32>, vector<16x128xf32>, vector<16x128xf32> -> vector<128x128xf32>
    %transpose3A_640 = tpu.transpose %concatenate3A_639, [1, 0] : vector<128x128xf32> -> vector<128x128xf32>
    %swap3A_641 = arith.constant 2688 : index
    %swap3A_642 = arith.constant 0 : index
    %swap3A_643 = vector.load %arg4[%swap3A_641, %swap3A_642] : memref<4096x128xf32, #tpu.memory_space<vmem>>, vector<128x128xf32>
    tpu.vector_store %arg4[%swap3A_641, %swap3A_642], %transpose3A_640 {strides = array<i32>} : memref<4096x128xf32, #tpu.memory_space<vmem>>, vector<128x128xf32>,
    %get3A_644 = arith.constant 0 : index
    %get3A_645 = arith.constant 22528 : index
    %get3A_646 = vector.load %arg6[%get3A_644, %get3A_645] : memref<16x32768xf32, #tpu.memory_space<vmem>>, vector<16x128xf32>
    %get3A_647 = arith.constant 0 : index
    %get3A_648 = arith.constant 22656 : index
    %get3A_649 = vector.load %arg6[%get3A_647, %get3A_648] : memref<16x32768xf32, #tpu.memory_space<vmem>>, vector<16x128xf32>
    %get3A_650 = arith.constant 0 : index
    %get3A_651 = arith.constant 22784 : index
    %get3A_652 = vector.load %arg6[%get3A_650, %get3A_651] : memref<16x32768xf32, #tpu.memory_space<vmem>>, vector<16x128xf32>
    %get3A_653 = arith.constant 0 : index
    %get3A_654 = arith.constant 22912 : index
    %get3A_655 = vector.load %arg6[%get3A_653, %get3A_654] : memref<16x32768xf32, #tpu.memory_space<vmem>>, vector<16x128xf32>
    %get3A_656 = arith.constant 0 : index
    %get3A_657 = arith.constant 23040 : index
    %get3A_658 = vector.load %arg6[%get3A_656, %get3A_657] : memref<16x32768xf32, #tpu.memory_space<vmem>>, vector<16x128xf32>
    %get3A_659 = arith.constant 0 : index
    %get3A_660 = arith.constant 23168 : index
    %get3A_661 = vector.load %arg6[%get3A_659, %get3A_660] : memref<16x32768xf32, #tpu.memory_space<vmem>>, vector<16x128xf32>
    %get3A_662 = arith.constant 0 : index
    %get3A_663 = arith.constant 23296 : index
    %get3A_664 = vector.load %arg6[%get3A_662, %get3A_663] : memref<16x32768xf32, #tpu.memory_space<vmem>>, vector<16x128xf32>
    %get3A_665 = arith.constant 0 : index
    %get3A_666 = arith.constant 23424 : index
    %get3A_667 = vector.load %arg6[%get3A_665, %get3A_666] : memref<16x32768xf32, #tpu.memory_space<vmem>>, vector<16x128xf32>
    %concatenate3A_668 = tpu.concatenate %get3A_646, %get3A_649, %get3A_652, %get3A_655, %get3A_658, %get3A_661, %get3A_664, %get3A_667 in 0 : vector<16x128xf32>, vector<16x128xf32>, vector<16x128xf32>, vector<16x128xf32>, vector<16x128xf32>, vector<16x128xf32>, vector<16x128xf32>, vector<16x128xf32> -> vector<128x128xf32>
    %transpose3A_669 = tpu.transpose %concatenate3A_668, [1, 0] : vector<128x128xf32> -> vector<128x128xf32>
    %swap3A_670 = arith.constant 2816 : index
    %swap3A_671 = arith.constant 0 : index
    %swap3A_672 = vector.load %arg4[%swap3A_670, %swap3A_671] : memref<4096x128xf32, #tpu.memory_space<vmem>>, vector<128x128xf32>
    tpu.vector_store %arg4[%swap3A_670, %swap3A_671], %transpose3A_669 {strides = array<i32>} : memref<4096x128xf32, #tpu.memory_space<vmem>>, vector<128x128xf32>,
    %get3A_673 = arith.constant 0 : index
    %get3A_674 = arith.constant 23552 : index
    %get3A_675 = vector.load %arg6[%get3A_673, %get3A_674] : memref<16x32768xf32, #tpu.memory_space<vmem>>, vector<16x128xf32>
    %get3A_676 = arith.constant 0 : index
    %get3A_677 = arith.constant 23680 : index
    %get3A_678 = vector.load %arg6[%get3A_676, %get3A_677] : memref<16x32768xf32, #tpu.memory_space<vmem>>, vector<16x128xf32>
    %get3A_679 = arith.constant 0 : index
    %get3A_680 = arith.constant 23808 : index
    %get3A_681 = vector.load %arg6[%get3A_679, %get3A_680] : memref<16x32768xf32, #tpu.memory_space<vmem>>, vector<16x128xf32>
    %get3A_682 = arith.constant 0 : index
    %get3A_683 = arith.constant 23936 : index
    %get3A_684 = vector.load %arg6[%get3A_682, %get3A_683] : memref<16x32768xf32, #tpu.memory_space<vmem>>, vector<16x128xf32>
    %get3A_685 = arith.constant 0 : index
    %get3A_686 = arith.constant 24064 : index
    %get3A_687 = vector.load %arg6[%get3A_685, %get3A_686] : memref<16x32768xf32, #tpu.memory_space<vmem>>, vector<16x128xf32>
    %get3A_688 = arith.constant 0 : index
    %get3A_689 = arith.constant 24192 : index
    %get3A_690 = vector.load %arg6[%get3A_688, %get3A_689] : memref<16x32768xf32, #tpu.memory_space<vmem>>, vector<16x128xf32>
    %get3A_691 = arith.constant 0 : index
    %get3A_692 = arith.constant 24320 : index
    %get3A_693 = vector.load %arg6[%get3A_691, %get3A_692] : memref<16x32768xf32, #tpu.memory_space<vmem>>, vector<16x128xf32>
    %get3A_694 = arith.constant 0 : index
    %get3A_695 = arith.constant 24448 : index
    %get3A_696 = vector.load %arg6[%get3A_694, %get3A_695] : memref<16x32768xf32, #tpu.memory_space<vmem>>, vector<16x128xf32>
    %concatenate3A_697 = tpu.concatenate %get3A_675, %get3A_678, %get3A_681, %get3A_684, %get3A_687, %get3A_690, %get3A_693, %get3A_696 in 0 : vector<16x128xf32>, vector<16x128xf32>, vector<16x128xf32>, vector<16x128xf32>, vector<16x128xf32>, vector<16x128xf32>, vector<16x128xf32>, vector<16x128xf32> -> vector<128x128xf32>
    %transpose3A_698 = tpu.transpose %concatenate3A_697, [1, 0] : vector<128x128xf32> -> vector<128x128xf32>
    %swap3A_699 = arith.constant 2944 : index
    %swap3A_700 = arith.constant 0 : index
    %swap3A_701 = vector.load %arg4[%swap3A_699, %swap3A_700] : memref<4096x128xf32, #tpu.memory_space<vmem>>, vector<128x128xf32>
    tpu.vector_store %arg4[%swap3A_699, %swap3A_700], %transpose3A_698 {strides = array<i32>} : memref<4096x128xf32, #tpu.memory_space<vmem>>, vector<128x128xf32>,
    %get3A_702 = arith.constant 0 : index
    %get3A_703 = arith.constant 24576 : index
    %get3A_704 = vector.load %arg6[%get3A_702, %get3A_703] : memref<16x32768xf32, #tpu.memory_space<vmem>>, vector<16x128xf32>
    %get3A_705 = arith.constant 0 : index
    %get3A_706 = arith.constant 24704 : index
    %get3A_707 = vector.load %arg6[%get3A_705, %get3A_706] : memref<16x32768xf32, #tpu.memory_space<vmem>>, vector<16x128xf32>
    %get3A_708 = arith.constant 0 : index
    %get3A_709 = arith.constant 24832 : index
    %get3A_710 = vector.load %arg6[%get3A_708, %get3A_709] : memref<16x32768xf32, #tpu.memory_space<vmem>>, vector<16x128xf32>
    %get3A_711 = arith.constant 0 : index
    %get3A_712 = arith.constant 24960 : index
    %get3A_713 = vector.load %arg6[%get3A_711, %get3A_712] : memref<16x32768xf32, #tpu.memory_space<vmem>>, vector<16x128xf32>
    %get3A_714 = arith.constant 0 : index
    %get3A_715 = arith.constant 25088 : index
    %get3A_716 = vector.load %arg6[%get3A_714, %get3A_715] : memref<16x32768xf32, #tpu.memory_space<vmem>>, vector<16x128xf32>
    %get3A_717 = arith.constant 0 : index
    %get3A_718 = arith.constant 25216 : index
    %get3A_719 = vector.load %arg6[%get3A_717, %get3A_718] : memref<16x32768xf32, #tpu.memory_space<vmem>>, vector<16x128xf32>
    %get3A_720 = arith.constant 0 : index
    %get3A_721 = arith.constant 25344 : index
    %get3A_722 = vector.load %arg6[%get3A_720, %get3A_721] : memref<16x32768xf32, #tpu.memory_space<vmem>>, vector<16x128xf32>
    %get3A_723 = arith.constant 0 : index
    %get3A_724 = arith.constant 25472 : index
    %get3A_725 = vector.load %arg6[%get3A_723, %get3A_724] : memref<16x32768xf32, #tpu.memory_space<vmem>>, vector<16x128xf32>
    %concatenate3A_726 = tpu.concatenate %get3A_704, %get3A_707, %get3A_710, %get3A_713, %get3A_716, %get3A_719, %get3A_722, %get3A_725 in 0 : vector<16x128xf32>, vector<16x128xf32>, vector<16x128xf32>, vector<16x128xf32>, vector<16x128xf32>, vector<16x128xf32>, vector<16x128xf32>, vector<16x128xf32> -> vector<128x128xf32>
    %transpose3A_727 = tpu.transpose %concatenate3A_726, [1, 0] : vector<128x128xf32> -> vector<128x128xf32>
    %swap3A_728 = arith.constant 3072 : index
    %swap3A_729 = arith.constant 0 : index
    %swap3A_730 = vector.load %arg4[%swap3A_728, %swap3A_729] : memref<4096x128xf32, #tpu.memory_space<vmem>>, vector<128x128xf32>
    tpu.vector_store %arg4[%swap3A_728, %swap3A_729], %transpose3A_727 {strides = array<i32>} : memref<4096x128xf32, #tpu.memory_space<vmem>>, vector<128x128xf32>,
    %get3A_731 = arith.constant 0 : index
    %get3A_732 = arith.constant 25600 : index
    %get3A_733 = vector.load %arg6[%get3A_731, %get3A_732] : memref<16x32768xf32, #tpu.memory_space<vmem>>, vector<16x128xf32>
    %get3A_734 = arith.constant 0 : index
    %get3A_735 = arith.constant 25728 : index
    %get3A_736 = vector.load %arg6[%get3A_734, %get3A_735] : memref<16x32768xf32, #tpu.memory_space<vmem>>, vector<16x128xf32>
    %get3A_737 = arith.constant 0 : index
    %get3A_738 = arith.constant 25856 : index
    %get3A_739 = vector.load %arg6[%get3A_737, %get3A_738] : memref<16x32768xf32, #tpu.memory_space<vmem>>, vector<16x128xf32>
    %get3A_740 = arith.constant 0 : index
    %get3A_741 = arith.constant 25984 : index
    %get3A_742 = vector.load %arg6[%get3A_740, %get3A_741] : memref<16x32768xf32, #tpu.memory_space<vmem>>, vector<16x128xf32>
    %get3A_743 = arith.constant 0 : index
    %get3A_744 = arith.constant 26112 : index
    %get3A_745 = vector.load %arg6[%get3A_743, %get3A_744] : memref<16x32768xf32, #tpu.memory_space<vmem>>, vector<16x128xf32>
    %get3A_746 = arith.constant 0 : index
    %get3A_747 = arith.constant 26240 : index
    %get3A_748 = vector.load %arg6[%get3A_746, %get3A_747] : memref<16x32768xf32, #tpu.memory_space<vmem>>, vector<16x128xf32>
    %get3A_749 = arith.constant 0 : index
    %get3A_750 = arith.constant 26368 : index
    %get3A_751 = vector.load %arg6[%get3A_749, %get3A_750] : memref<16x32768xf32, #tpu.memory_space<vmem>>, vector<16x128xf32>
    %get3A_752 = arith.constant 0 : index
    %get3A_753 = arith.constant 26496 : index
    %get3A_754 = vector.load %arg6[%get3A_752, %get3A_753] : memref<16x32768xf32, #tpu.memory_space<vmem>>, vector<16x128xf32>
    %concatenate3A_755 = tpu.concatenate %get3A_733, %get3A_736, %get3A_739, %get3A_742, %get3A_745, %get3A_748, %get3A_751, %get3A_754 in 0 : vector<16x128xf32>, vector<16x128xf32>, vector<16x128xf32>, vector<16x128xf32>, vector<16x128xf32>, vector<16x128xf32>, vector<16x128xf32>, vector<16x128xf32> -> vector<128x128xf32>
    %transpose3A_756 = tpu.transpose %concatenate3A_755, [1, 0] : vector<128x128xf32> -> vector<128x128xf32>
    %swap3A_757 = arith.constant 3200 : index
    %swap3A_758 = arith.constant 0 : index
    %swap3A_759 = vector.load %arg4[%swap3A_757, %swap3A_758] : memref<4096x128xf32, #tpu.memory_space<vmem>>, vector<128x128xf32>
    tpu.vector_store %arg4[%swap3A_757, %swap3A_758], %transpose3A_756 {strides = array<i32>} : memref<4096x128xf32, #tpu.memory_space<vmem>>, vector<128x128xf32>,
    %get3A_760 = arith.constant 0 : index
    %get3A_761 = arith.constant 26624 : index
    %get3A_762 = vector.load %arg6[%get3A_760, %get3A_761] : memref<16x32768xf32, #tpu.memory_space<vmem>>, vector<16x128xf32>
    %get3A_763 = arith.constant 0 : index
    %get3A_764 = arith.constant 26752 : index
    %get3A_765 = vector.load %arg6[%get3A_763, %get3A_764] : memref<16x32768xf32, #tpu.memory_space<vmem>>, vector<16x128xf32>
    %get3A_766 = arith.constant 0 : index
    %get3A_767 = arith.constant 26880 : index
    %get3A_768 = vector.load %arg6[%get3A_766, %get3A_767] : memref<16x32768xf32, #tpu.memory_space<vmem>>, vector<16x128xf32>
    %get3A_769 = arith.constant 0 : index
    %get3A_770 = arith.constant 27008 : index
    %get3A_771 = vector.load %arg6[%get3A_769, %get3A_770] : memref<16x32768xf32, #tpu.memory_space<vmem>>, vector<16x128xf32>
    %get3A_772 = arith.constant 0 : index
    %get3A_773 = arith.constant 27136 : index
    %get3A_774 = vector.load %arg6[%get3A_772, %get3A_773] : memref<16x32768xf32, #tpu.memory_space<vmem>>, vector<16x128xf32>
    %get3A_775 = arith.constant 0 : index
    %get3A_776 = arith.constant 27264 : index
    %get3A_777 = vector.load %arg6[%get3A_775, %get3A_776] : memref<16x32768xf32, #tpu.memory_space<vmem>>, vector<16x128xf32>
    %get3A_778 = arith.constant 0 : index
    %get3A_779 = arith.constant 27392 : index
    %get3A_780 = vector.load %arg6[%get3A_778, %get3A_779] : memref<16x32768xf32, #tpu.memory_space<vmem>>, vector<16x128xf32>
    %get3A_781 = arith.constant 0 : index
    %get3A_782 = arith.constant 27520 : index
    %get3A_783 = vector.load %arg6[%get3A_781, %get3A_782] : memref<16x32768xf32, #tpu.memory_space<vmem>>, vector<16x128xf32>
    %concatenate3A_784 = tpu.concatenate %get3A_762, %get3A_765, %get3A_768, %get3A_771, %get3A_774, %get3A_777, %get3A_780, %get3A_783 in 0 : vector<16x128xf32>, vector<16x128xf32>, vector<16x128xf32>, vector<16x128xf32>, vector<16x128xf32>, vector<16x128xf32>, vector<16x128xf32>, vector<16x128xf32> -> vector<128x128xf32>
    %transpose3A_785 = tpu.transpose %concatenate3A_784, [1, 0] : vector<128x128xf32> -> vector<128x128xf32>
    %swap3A_786 = arith.constant 3328 : index
    %swap3A_787 = arith.constant 0 : index
    %swap3A_788 = vector.load %arg4[%swap3A_786, %swap3A_787] : memref<4096x128xf32, #tpu.memory_space<vmem>>, vector<128x128xf32>
    tpu.vector_store %arg4[%swap3A_786, %swap3A_787], %transpose3A_785 {strides = array<i32>} : memref<4096x128xf32, #tpu.memory_space<vmem>>, vector<128x128xf32>,
    %get3A_789 = arith.constant 0 : index
    %get3A_790 = arith.constant 27648 : index
    %get3A_791 = vector.load %arg6[%get3A_789, %get3A_790] : memref<16x32768xf32, #tpu.memory_space<vmem>>, vector<16x128xf32>
    %get3A_792 = arith.constant 0 : index
    %get3A_793 = arith.constant 27776 : index
    %get3A_794 = vector.load %arg6[%get3A_792, %get3A_793] : memref<16x32768xf32, #tpu.memory_space<vmem>>, vector<16x128xf32>
    %get3A_795 = arith.constant 0 : index
    %get3A_796 = arith.constant 27904 : index
    %get3A_797 = vector.load %arg6[%get3A_795, %get3A_796] : memref<16x32768xf32, #tpu.memory_space<vmem>>, vector<16x128xf32>
    %get3A_798 = arith.constant 0 : index
    %get3A_799 = arith.constant 28032 : index
    %get3A_800 = vector.load %arg6[%get3A_798, %get3A_799] : memref<16x32768xf32, #tpu.memory_space<vmem>>, vector<16x128xf32>
    %get3A_801 = arith.constant 0 : index
    %get3A_802 = arith.constant 28160 : index
    %get3A_803 = vector.load %arg6[%get3A_801, %get3A_802] : memref<16x32768xf32, #tpu.memory_space<vmem>>, vector<16x128xf32>
    %get3A_804 = arith.constant 0 : index
    %get3A_805 = arith.constant 28288 : index
    %get3A_806 = vector.load %arg6[%get3A_804, %get3A_805] : memref<16x32768xf32, #tpu.memory_space<vmem>>, vector<16x128xf32>
    %get3A_807 = arith.constant 0 : index
    %get3A_808 = arith.constant 28416 : index
    %get3A_809 = vector.load %arg6[%get3A_807, %get3A_808] : memref<16x32768xf32, #tpu.memory_space<vmem>>, vector<16x128xf32>
    %get3A_810 = arith.constant 0 : index
    %get3A_811 = arith.constant 28544 : index
    %get3A_812 = vector.load %arg6[%get3A_810, %get3A_811] : memref<16x32768xf32, #tpu.memory_space<vmem>>, vector<16x128xf32>
    %concatenate3A_813 = tpu.concatenate %get3A_791, %get3A_794, %get3A_797, %get3A_800, %get3A_803, %get3A_806, %get3A_809, %get3A_812 in 0 : vector<16x128xf32>, vector<16x128xf32>, vector<16x128xf32>, vector<16x128xf32>, vector<16x128xf32>, vector<16x128xf32>, vector<16x128xf32>, vector<16x128xf32> -> vector<128x128xf32>
    %transpose3A_814 = tpu.transpose %concatenate3A_813, [1, 0] : vector<128x128xf32> -> vector<128x128xf32>
    %swap3A_815 = arith.constant 3456 : index
    %swap3A_816 = arith.constant 0 : index
    %swap3A_817 = vector.load %arg4[%swap3A_815, %swap3A_816] : memref<4096x128xf32, #tpu.memory_space<vmem>>, vector<128x128xf32>
    tpu.vector_store %arg4[%swap3A_815, %swap3A_816], %transpose3A_814 {strides = array<i32>} : memref<4096x128xf32, #tpu.memory_space<vmem>>, vector<128x128xf32>,
    %get3A_818 = arith.constant 0 : index
    %get3A_819 = arith.constant 28672 : index
    %get3A_820 = vector.load %arg6[%get3A_818, %get3A_819] : memref<16x32768xf32, #tpu.memory_space<vmem>>, vector<16x128xf32>
    %get3A_821 = arith.constant 0 : index
    %get3A_822 = arith.constant 28800 : index
    %get3A_823 = vector.load %arg6[%get3A_821, %get3A_822] : memref<16x32768xf32, #tpu.memory_space<vmem>>, vector<16x128xf32>
    %get3A_824 = arith.constant 0 : index
    %get3A_825 = arith.constant 28928 : index
    %get3A_826 = vector.load %arg6[%get3A_824, %get3A_825] : memref<16x32768xf32, #tpu.memory_space<vmem>>, vector<16x128xf32>
    %get3A_827 = arith.constant 0 : index
    %get3A_828 = arith.constant 29056 : index
    %get3A_829 = vector.load %arg6[%get3A_827, %get3A_828] : memref<16x32768xf32, #tpu.memory_space<vmem>>, vector<16x128xf32>
    %get3A_830 = arith.constant 0 : index
    %get3A_831 = arith.constant 29184 : index
    %get3A_832 = vector.load %arg6[%get3A_830, %get3A_831] : memref<16x32768xf32, #tpu.memory_space<vmem>>, vector<16x128xf32>
    %get3A_833 = arith.constant 0 : index
    %get3A_834 = arith.constant 29312 : index
    %get3A_835 = vector.load %arg6[%get3A_833, %get3A_834] : memref<16x32768xf32, #tpu.memory_space<vmem>>, vector<16x128xf32>
    %get3A_836 = arith.constant 0 : index
    %get3A_837 = arith.constant 29440 : index
    %get3A_838 = vector.load %arg6[%get3A_836, %get3A_837] : memref<16x32768xf32, #tpu.memory_space<vmem>>, vector<16x128xf32>
    %get3A_839 = arith.constant 0 : index
    %get3A_840 = arith.constant 29568 : index
    %get3A_841 = vector.load %arg6[%get3A_839, %get3A_840] : memref<16x32768xf32, #tpu.memory_space<vmem>>, vector<16x128xf32>
    %concatenate3A_842 = tpu.concatenate %get3A_820, %get3A_823, %get3A_826, %get3A_829, %get3A_832, %get3A_835, %get3A_838, %get3A_841 in 0 : vector<16x128xf32>, vector<16x128xf32>, vector<16x128xf32>, vector<16x128xf32>, vector<16x128xf32>, vector<16x128xf32>, vector<16x128xf32>, vector<16x128xf32> -> vector<128x128xf32>
    %transpose3A_843 = tpu.transpose %concatenate3A_842, [1, 0] : vector<128x128xf32> -> vector<128x128xf32>
    %swap3A_844 = arith.constant 3584 : index
    %swap3A_845 = arith.constant 0 : index
    %swap3A_846 = vector.load %arg4[%swap3A_844, %swap3A_845] : memref<4096x128xf32, #tpu.memory_space<vmem>>, vector<128x128xf32>
    tpu.vector_store %arg4[%swap3A_844, %swap3A_845], %transpose3A_843 {strides = array<i32>} : memref<4096x128xf32, #tpu.memory_space<vmem>>, vector<128x128xf32>,
    %get3A_847 = arith.constant 0 : index
    %get3A_848 = arith.constant 29696 : index
    %get3A_849 = vector.load %arg6[%get3A_847, %get3A_848] : memref<16x32768xf32, #tpu.memory_space<vmem>>, vector<16x128xf32>
    %get3A_850 = arith.constant 0 : index
    %get3A_851 = arith.constant 29824 : index
    %get3A_852 = vector.load %arg6[%get3A_850, %get3A_851] : memref<16x32768xf32, #tpu.memory_space<vmem>>, vector<16x128xf32>
    %get3A_853 = arith.constant 0 : index
    %get3A_854 = arith.constant 29952 : index
    %get3A_855 = vector.load %arg6[%get3A_853, %get3A_854] : memref<16x32768xf32, #tpu.memory_space<vmem>>, vector<16x128xf32>
    %get3A_856 = arith.constant 0 : index
    %get3A_857 = arith.constant 30080 : index
    %get3A_858 = vector.load %arg6[%get3A_856, %get3A_857] : memref<16x32768xf32, #tpu.memory_space<vmem>>, vector<16x128xf32>
    %get3A_859 = arith.constant 0 : index
    %get3A_860 = arith.constant 30208 : index
    %get3A_861 = vector.load %arg6[%get3A_859, %get3A_860] : memref<16x32768xf32, #tpu.memory_space<vmem>>, vector<16x128xf32>
    %get3A_862 = arith.constant 0 : index
    %get3A_863 = arith.constant 30336 : index
    %get3A_864 = vector.load %arg6[%get3A_862, %get3A_863] : memref<16x32768xf32, #tpu.memory_space<vmem>>, vector<16x128xf32>
    %get3A_865 = arith.constant 0 : index
    %get3A_866 = arith.constant 30464 : index
    %get3A_867 = vector.load %arg6[%get3A_865, %get3A_866] : memref<16x32768xf32, #tpu.memory_space<vmem>>, vector<16x128xf32>
    %get3A_868 = arith.constant 0 : index
    %get3A_869 = arith.constant 30592 : index
    %get3A_870 = vector.load %arg6[%get3A_868, %get3A_869] : memref<16x32768xf32, #tpu.memory_space<vmem>>, vector<16x128xf32>
    %concatenate3A_871 = tpu.concatenate %get3A_849, %get3A_852, %get3A_855, %get3A_858, %get3A_861, %get3A_864, %get3A_867, %get3A_870 in 0 : vector<16x128xf32>, vector<16x128xf32>, vector<16x128xf32>, vector<16x128xf32>, vector<16x128xf32>, vector<16x128xf32>, vector<16x128xf32>, vector<16x128xf32> -> vector<128x128xf32>
    %transpose3A_872 = tpu.transpose %concatenate3A_871, [1, 0] : vector<128x128xf32> -> vector<128x128xf32>
    %swap3A_873 = arith.constant 3712 : index
    %swap3A_874 = arith.constant 0 : index
    %swap3A_875 = vector.load %arg4[%swap3A_873, %swap3A_874] : memref<4096x128xf32, #tpu.memory_space<vmem>>, vector<128x128xf32>
    tpu.vector_store %arg4[%swap3A_873, %swap3A_874], %transpose3A_872 {strides = array<i32>} : memref<4096x128xf32, #tpu.memory_space<vmem>>, vector<128x128xf32>,
    %get3A_876 = arith.constant 0 : index
    %get3A_877 = arith.constant 30720 : index
    %get3A_878 = vector.load %arg6[%get3A_876, %get3A_877] : memref<16x32768xf32, #tpu.memory_space<vmem>>, vector<16x128xf32>
    %get3A_879 = arith.constant 0 : index
    %get3A_880 = arith.constant 30848 : index
    %get3A_881 = vector.load %arg6[%get3A_879, %get3A_880] : memref<16x32768xf32, #tpu.memory_space<vmem>>, vector<16x128xf32>
    %get3A_882 = arith.constant 0 : index
    %get3A_883 = arith.constant 30976 : index
    %get3A_884 = vector.load %arg6[%get3A_882, %get3A_883] : memref<16x32768xf32, #tpu.memory_space<vmem>>, vector<16x128xf32>
    %get3A_885 = arith.constant 0 : index
    %get3A_886 = arith.constant 31104 : index
    %get3A_887 = vector.load %arg6[%get3A_885, %get3A_886] : memref<16x32768xf32, #tpu.memory_space<vmem>>, vector<16x128xf32>
    %get3A_888 = arith.constant 0 : index
    %get3A_889 = arith.constant 31232 : index
    %get3A_890 = vector.load %arg6[%get3A_888, %get3A_889] : memref<16x32768xf32, #tpu.memory_space<vmem>>, vector<16x128xf32>
    %get3A_891 = arith.constant 0 : index
    %get3A_892 = arith.constant 31360 : index
    %get3A_893 = vector.load %arg6[%get3A_891, %get3A_892] : memref<16x32768xf32, #tpu.memory_space<vmem>>, vector<16x128xf32>
    %get3A_894 = arith.constant 0 : index
    %get3A_895 = arith.constant 31488 : index
    %get3A_896 = vector.load %arg6[%get3A_894, %get3A_895] : memref<16x32768xf32, #tpu.memory_space<vmem>>, vector<16x128xf32>
    %get3A_897 = arith.constant 0 : index
    %get3A_898 = arith.constant 31616 : index
    %get3A_899 = vector.load %arg6[%get3A_897, %get3A_898] : memref<16x32768xf32, #tpu.memory_space<vmem>>, vector<16x128xf32>
    %concatenate3A_900 = tpu.concatenate %get3A_878, %get3A_881, %get3A_884, %get3A_887, %get3A_890, %get3A_893, %get3A_896, %get3A_899 in 0 : vector<16x128xf32>, vector<16x128xf32>, vector<16x128xf32>, vector<16x128xf32>, vector<16x128xf32>, vector<16x128xf32>, vector<16x128xf32>, vector<16x128xf32> -> vector<128x128xf32>
    %transpose3A_901 = tpu.transpose %concatenate3A_900, [1, 0] : vector<128x128xf32> -> vector<128x128xf32>
    %swap3A_902 = arith.constant 3840 : index
    %swap3A_903 = arith.constant 0 : index
    %swap3A_904 = vector.load %arg4[%swap3A_902, %swap3A_903] : memref<4096x128xf32, #tpu.memory_space<vmem>>, vector<128x128xf32>
    tpu.vector_store %arg4[%swap3A_902, %swap3A_903], %transpose3A_901 {strides = array<i32>} : memref<4096x128xf32, #tpu.memory_space<vmem>>, vector<128x128xf32>,
    %get3A_905 = arith.constant 0 : index
    %get3A_906 = arith.constant 31744 : index
    %get3A_907 = vector.load %arg6[%get3A_905, %get3A_906] : memref<16x32768xf32, #tpu.memory_space<vmem>>, vector<16x128xf32>
    %get3A_908 = arith.constant 0 : index
    %get3A_909 = arith.constant 31872 : index
    %get3A_910 = vector.load %arg6[%get3A_908, %get3A_909] : memref<16x32768xf32, #tpu.memory_space<vmem>>, vector<16x128xf32>
    %get3A_911 = arith.constant 0 : index
    %get3A_912 = arith.constant 32000 : index
    %get3A_913 = vector.load %arg6[%get3A_911, %get3A_912] : memref<16x32768xf32, #tpu.memory_space<vmem>>, vector<16x128xf32>
    %get3A_914 = arith.constant 0 : index
    %get3A_915 = arith.constant 32128 : index
    %get3A_916 = vector.load %arg6[%get3A_914, %get3A_915] : memref<16x32768xf32, #tpu.memory_space<vmem>>, vector<16x128xf32>
    %get3A_917 = arith.constant 0 : index
    %get3A_918 = arith.constant 32256 : index
    %get3A_919 = vector.load %arg6[%get3A_917, %get3A_918] : memref<16x32768xf32, #tpu.memory_space<vmem>>, vector<16x128xf32>
    %get3A_920 = arith.constant 0 : index
    %get3A_921 = arith.constant 32384 : index
    %get3A_922 = vector.load %arg6[%get3A_920, %get3A_921] : memref<16x32768xf32, #tpu.memory_space<vmem>>, vector<16x128xf32>
    %get3A_923 = arith.constant 0 : index
    %get3A_924 = arith.constant 32512 : index
    %get3A_925 = vector.load %arg6[%get3A_923, %get3A_924] : memref<16x32768xf32, #tpu.memory_space<vmem>>, vector<16x128xf32>
    %get3A_926 = arith.constant 0 : index
    %get3A_927 = arith.constant 32640 : index
    %get3A_928 = vector.load %arg6[%get3A_926, %get3A_927] : memref<16x32768xf32, #tpu.memory_space<vmem>>, vector<16x128xf32>
    %concatenate3A_929 = tpu.concatenate %get3A_907, %get3A_910, %get3A_913, %get3A_916, %get3A_919, %get3A_922, %get3A_925, %get3A_928 in 0 : vector<16x128xf32>, vector<16x128xf32>, vector<16x128xf32>, vector<16x128xf32>, vector<16x128xf32>, vector<16x128xf32>, vector<16x128xf32>, vector<16x128xf32> -> vector<128x128xf32>
    %transpose3A_930 = tpu.transpose %concatenate3A_929, [1, 0] : vector<128x128xf32> -> vector<128x128xf32>
    %swap3A_931 = arith.constant 3968 : index
    %swap3A_932 = arith.constant 0 : index
    %swap3A_933 = vector.load %arg4[%swap3A_931, %swap3A_932] : memref<4096x128xf32, #tpu.memory_space<vmem>>, vector<128x128xf32>
    tpu.vector_store %arg4[%swap3A_931, %swap3A_932], %transpose3A_930 {strides = array<i32>} : memref<4096x128xf32, #tpu.memory_space<vmem>>, vector<128x128xf32>,
    %eq3A = arith.constant 30 : i32
    %eq3A_934 = arith.cmpi eq, %arg0, %eq3A : i32
    %convert_element_type3A = arith.extui %eq3A_934 : i1 to i32
    %cond3A = arith.constant 0 : i32
    %cond3A_935 = arith.cmpi ne, %convert_element_type3A, %cond3A : i32
    scf.if %cond3A_935 {
      %get3A_936 = arith.constant 0 : index
      %get3A_937 = arith.constant 0 : index
      %get3A_938 = vector.load %arg3[%get3A_936, %get3A_937] : memref<200x4096xi32, #tpu.memory_space<vmem>>, vector<200x4096xi32>
      %and3A = arith.constant -1024 : i32
      %and3A_939 = vector.broadcast %and3A : i32 to vector<200x4096xi32>
      %and3A_940 = arith.andi %get3A_938, %and3A_939 : vector<200x4096xi32>
      %and3A_941 = arith.constant 127 : i32
      %and3A_942 = vector.broadcast %and3A_941 : i32 to vector<200x4096xi32>
      %and3A_943 = arith.andi %get3A_938, %and3A_942 : vector<200x4096xi32>
      %shift_left3A = arith.constant 3 : i32
      %shift_left3A_944 = vector.broadcast %shift_left3A : i32 to vector<200x4096xi32>
      %shift_left3A_945 = arith.shli %and3A_943, %shift_left3A_944 : vector<200x4096xi32>
      %or3A = arith.ori %and3A_940, %shift_left3A_945 : vector<200x4096xi32>
      %shift_right_arithmetic3A = arith.constant 7 : i32
      %shift_right_arithmetic3A_946 = vector.broadcast %shift_right_arithmetic3A : i32 to vector<200x4096xi32>
      %shift_right_arithmetic3A_947 = arith.shrsi %get3A_938, %shift_right_arithmetic3A_946 : vector<200x4096xi32>
      %and3A_948 = arith.constant 7 : i32
      %and3A_949 = vector.broadcast %and3A_948 : i32 to vector<200x4096xi32>
      %and3A_950 = arith.andi %shift_right_arithmetic3A_947, %and3A_949 : vector<200x4096xi32>
      %or3A_951 = arith.ori %or3A, %and3A_950 : vector<200x4096xi32>
      %swap3A_952 = arith.constant 0 : index
      %swap3A_953 = arith.constant 0 : index
      %swap3A_954 = vector.load %arg5[%swap3A_952, %swap3A_953] : memref<200x4096xi32, #tpu.memory_space<vmem>>, vector<200x4096xi32>
      tpu.vector_store %arg5[%swap3A_952, %swap3A_953], %or3A_951 {strides = array<i32>} : memref<200x4096xi32, #tpu.memory_space<vmem>>, vector<200x4096xi32>,
    } else {
    }
    return
  }
  func.func @transform_0(%arg0: i32) -> (i32, i32) {
    %c0_i32 = arith.constant 0 : i32
    %c0_i32_0 = arith.constant 0 : i32
    return %c0_i32, %arg0 : i32, i32
  }
  func.func @transform_1(%arg0: i32) -> (i32, i32) {
    %c0_i32 = arith.constant 0 : i32
    %c0_i32_0 = arith.constant 0 : i32
    %c0_i32_1 = arith.constant 0 : i32
    return %c0_i32, %c0_i32_0 : i32, i32
  }
  func.func @transform_2(%arg0: i32) -> (i32, i32) {
    %c0_i32 = arith.constant 0 : i32
    %c0_i32_0 = arith.constant 0 : i32
    %c0_i32_1 = arith.constant 0 : i32
    return %c0_i32, %c0_i32_0 : i32, i32
  }
  func.func @transform_3(%arg0: i32) -> (i32, i32) {
    %c0_i32 = arith.constant 0 : i32
    %c0_i32_0 = arith.constant 0 : i32
    return %arg0, %c0_i32 : i32, i32
  }
  func.func @transform_4(%arg0: i32) -> (i32, i32) {
    %c0_i32 = arith.constant 0 : i32
    %c0_i32_0 = arith.constant 0 : i32
    %c0_i32_1 = arith.constant 0 : i32
    return %c0_i32, %c0_i32_0 : i32, i32
  }
}

</mosaic_0001>

<sc_bundles>
// kernel: kernel.4.cloned.1.call-start
scs
__scs_entry_jumppad:
0x0: {  	(pc) =	sbr.rel $0x88, $3  }
0x1: {  	(tag) =	ssettag $0x0;
	lr =	simm.s32 $0x1  }
0x2: {  	[smem:$0x3F9D] =	sst lr;
	_ =	strace $0xD0000000  }
0x3: {  	_ = 	snop  }
0x4: {  	_ = 	snop  }
0x5: {  	_ = 	snop  }
0x6: {  	_ = 	snop  }
0x7: {  	_ = 	snop  }
__scs_overlays_trampoline_lowered:
0x8: {  	[smem:$0x3FAC] =	sst s0  }
0x9: {  	[smem:$0x3FAD] =	sst s1  }
0xa: {  	[smem:$0x3FAE] =	sst s2  }
0xb: {  	[smem:$0x3FAF] =	sst s3  }
0xc: {  	[smem:$0x3FB0] =	sst s4  }
0xd: {  	[smem:$0x3FB1] =	sst s5  }
0xe: {  	[smem:$0x3FB2] =	sst s6  }
0xf: {  	[smem:$0x3FB3] =	sst s7  }
0x10: {  	[smem:$0x3FB4] =	sst s8  }
0x11: {  	[smem:$0x3FB5] =	sst s9;
	s0 =	simm.s32 @!p0 $0x0  }
0x12: {  	s1 =	sld [smem:$0x3F9B];
	s0 =	simm.s32 @p0 $0x1  }
0x13: {  	[smem:$0x3FB6] =	sst s0;
	s0 =	simm.s32 @!p1 $0x0  }
0x14: {  	s2 =	sld [smem:$0x3F9A];
	s0 =	simm.s32 @p1 $0x1  }
0x15: {  	[smem:$0x3FB7] =	sst s0;
	s0 =	simm.s32 @!p2 $0x0  }
0x16: {  	s3 =	sld [smem:$0x3FDB];
	s0 =	simm.s32 @p2 $0x1  }
0x17: {  	s4 =	simm.s32 $0x1BF5;
	[smem:$0x3FB9] =	sst s0  }
0x18: {  	s0 =	sld [smem:$0x3F9C];
	_ =	swait.ge [sflag:s4], $0x0  }
0x19: {  	s7 =	sld [smem:$0x3F9D]  }
0x1a: {  	s8 =	sadd.s32 $0xFFFFE003, lr  }
0x1b: {  	s9 =	sadd.s32 $0xFFFFFEF7, lr;
	s5 =	simm.s32 $0xFFFFFFFF;
	p2 =	slt.u32 s8, $0xFFFFF086  }
0x1c: {  	p1 =	slt.u32 s9, $0xF7A;
	s5 =	simm.s32 @!p2 $0x0  }
0x1d: {  	s5 =	simm.s32 @p1 $0x1;
	p0 =	seq.s32 s7, s2  }
0x1e: {  	s7 =	smul.u32 @!p0 $0xF7A, s2;
	p2 =	seq.s32 @!p0 s5, $0x0  }
0x1f: {  	s9 =	smul.u32 $0xF7A, s1;
	s8 =	simm.s32 @!p0 $0x1BF5;
	p2 =	por !p2, p0  }
0x20: {  	[sflag:s8] =	ssyncset.s32 @!p0 $0xFFFFF086;
	s6 =	sadd.s32 @!p0 s3, s7;
	s7 =	simm.s32 @!p0 $0x108  }
0x21: {  	s3 =	sadd.s32 s3, s9;
	s6 =	sadd.s32 @!p0 $0x88, s6;
	s7 =	simm.s32 @p2 $0x1082  }
0x22: {  	[simem:s7], [sflag:s8] =	dma.local @!p0 [hbm:s6], $0xF7A  }
0x23: {  	s9 =	sor.u32 $0xD0000000, s2;
	s6 =	simm.s32 $0x108;
	_ =	swait.ge @!p0 [sflag:s8], $0x0  }
0x24: {  	s3 =	sadd.s32 $0x88, s3;
	s6 =	simm.s32 @!p1 $0x1082;
	[sflag:s4] =	ssyncset.s32 $0xFFFFF086  }
0x25: {  	[simem:s6], [sflag:s4] =	dma.local [hbm:s3], $0xF7A  }
0x26: {  	[smem:$0x3F9D] =	sst s1;
	(tag) =	ssettag s2;
	_ =	strace s9  }
0x27: {  	s1 =	sld [smem:$0x3FAD]  }
0x28: {  	s2 =	sld [smem:$0x3FAE]  }
0x29: {  	s4 =	sld [smem:$0x3FB0]  }
0x2a: {  	p0 =	seq.s32 s5, $0x0;
	s5 =	sld [smem:$0x3FB1]  }
0x2b: {  	s6 =	sld [smem:$0x3FB2]  }
0x2c: {  	s7 =	sld [smem:$0x3FB3]  }
0x2d: {  	s3 =	simm.s32 $0x108;
	s8 =	sld [smem:$0x3FB4]  }
0x2e: {  	s3 =	simm.s32 @!p0 $0x1082;
	s9 =	sld [smem:$0x3FB5]  }
0x2f: {  	lr =	sadd.s32 s0, s3;
	s0 =	sld [smem:$0x3FAC]  }
0x30: {  	s3 =	sld [smem:$0x3FAF]  }
0x31: {  	[smem:$0x3FB8] =	sst s10  }
0x32: {  	s10 =	sld [smem:$0x3FB6];
	_ =	sdelay $0x3  }
0x33: {  	p0 =	seq.s32 s10, $0x1;
	s10 =	sld [smem:$0x3FB8];
	_ =	sdelay $0x3  }
0x34: {  	[smem:$0x3FB8] =	sst s10  }
0x35: {  	s10 =	sld [smem:$0x3FB7];
	_ =	sdelay $0x3  }
0x36: {  	p1 =	seq.s32 s10, $0x1;
	s10 =	sld [smem:$0x3FB8];
	_ =	sdelay $0x3  }
0x37: {  	[smem:$0x3FB8] =	sst s10  }
0x38: {  	s10 =	sld [smem:$0x3FB9]  }
0x39: {  	_ = 	snop;
	(pc) =	sbr.ind lr, $3  }
0x3a: {  	_ = 	snop  }
0x3b: {  	_ = 	snop  }
0x3c: {  	p2 =	seq.s32 s10, $0x1;
	s10 =	sld [smem:$0x3FB8]  }
0x3d: {  	_ =	shalt  }
0x3e: {  	_ =	shalt  }
0x3f: {  	_ =	shalt  }
0x40: {  	_ =	shalt  }
0x41: {  	_ =	shalt  }
0x42: {  	_ =	shalt  }
0x43: {  	_ =	shalt  }
0x44: {  	_ =	shalt  }
0x45: {  	_ =	shalt  }
0x46: {  	_ =	shalt  }
0x47: {  	_ =	shalt  }
0x48: {  	_ =	shalt  }
0x49: {  	_ =	shalt  }
0x4a: {  	_ =	shalt  }
0x4b: {  	_ =	shalt  }
0x4c: {  	_ =	shalt  }
0x4d: {  	_ =	shalt  }
0x4e: {  	_ =	shalt  }
0x4f: {  	_ =	shalt  }
0x50: {  	_ =	shalt  }
0x51: {  	_ =	shalt  }
0x52: {  	_ =	shalt  }
0x53: {  	_ =	shalt  }
0x54: {  	_ =	shalt  }
0x55: {  	_ =	shalt  }
0x56: {  	_ =	shalt  }
0x57: {  	_ =	shalt  }
0x58: {  	_ =	shalt  }
0x59: {  	_ =	shalt  }
0x5a: {  	_ =	shalt  }
0x5b: {  	_ =	shalt  }
0x5c: {  	_ =	shalt  }
0x5d: {  	_ =	shalt  }
0x5e: {  	_ =	shalt  }
0x5f: {  	_ =	shalt  }
0x60: {  	_ =	shalt  }
0x61: {  	_ =	shalt  }
0x62: {  	_ =	shalt  }
0x63: {  	_ =	shalt  }
0x64: {  	_ =	shalt  }
0x65: {  	_ =	shalt  }
0x66: {  	_ =	shalt  }
0x67: {  	_ =	shalt  }
0x68: {  	_ =	shalt  }
0x69: {  	_ =	shalt  }
0x6a: {  	_ =	shalt  }
0x6b: {  	_ =	shalt  }
0x6c: {  	_ =	shalt  }
0x6d: {  	_ =	shalt  }
0x6e: {  	_ =	shalt  }
0x6f: {  	_ =	shalt  }
0x70: {  	_ =	shalt  }
0x71: {  	_ =	shalt  }
0x72: {  	_ =	shalt  }
0x73: {  	_ =	shalt  }
0x74: {  	_ =	shalt  }
0x75: {  	_ =	shalt  }
0x76: {  	_ =	shalt  }
0x77: {  	_ =	shalt  }
0x78: {  	_ =	shalt  }
0x79: {  	_ =	shalt  }
0x7a: {  	_ =	shalt  }
0x7b: {  	_ =	shalt  }
0x7c: {  	_ =	shalt  }
0x7d: {  	_ =	shalt  }
0x7e: {  	_ =	shalt  }
0x7f: {  	_ =	shalt  }
0x80: {  	_ =	shalt  }
0x81: {  	_ =	shalt  }
0x82: {  	_ =	shalt  }
0x83: {  	_ =	shalt  }
0x84: {  	_ =	shalt  }
0x85: {  	_ =	shalt  }
0x86: {  	_ =	shalt  }
0x87: {  	_ =	shalt  }
.Lfunc_end0:
.L_simem_size_0:
called_computation_lowered:
.L_overlay_start_0:
0x88: {  	s2 =	sld [smem:$0x3FD9]  }
0x89: {  	s3 =	sld [smem:$0x3FFE];
	_ =	sdelay $0x1  }
0x8a: {  	s1 =	srdreg.scid  }
0x8b: {  	s0 =	sand.u32 $0x1, s1  }
0x8c: {  	s17 =	sshll.u32 s0, $0xA;
	s2 =	sadd.s32 s3, s2  }
0x8d: {  	s2 =	sadd.s32 s2, s17  }
0x8e: {  	[smem:$0x3FC4] =	sst s2  }
0x8f: {  	_ = 	snop  }
0x90: {  	s2 =	sld [smem:$0x3FC6]  }
0x91: {  	s18 =	sld [smem:$0x3FD0];
	(tm) =	ssettm $0x1  }
0x92: {  	s4 =	sld [smem:$0x3FFB];
	_ =	sdelay $0x3  }
0x93: {  	_ =	strace s4  }
0x94: {  	s4 =	sld [smem:$0x3FFC];
	_ =	sdelay $0x3  }
0x95: {  	_ =	strace s4  }
0x96: {  	s4 =	sld [smem:$0x3FFD];
	_ =	sdelay $0x3  }
0x97: {  	_ =	strace s4  }
0x98: {  	_ =	strace $0x8FFFFFFF  }
0x99: {  	s19 =	sld [smem:$0x3FDB];
	_ =	sdelay $0x1  }
0x9a: {  	s5 =	simm.s32 $_scs_section_size  }
0x9b: {  	s6 =	simm.s32 $_size__tile_overlayer_lowered;
	s7 =	simm.s32 $_tile_overlayer_lowered  }
0x9c: {  	s22 =	simm.s32 $0x1BFF;
	s21 =	sshll.u32 s7, $0x1;
	s4 =	sadd.s32 s5, s19  }
0x9d: {  	s8 =	simm.s32 $0x0;
	s20 =	sshll.u32 s6, $0x1;
	s6 =	sadd.s32 s21, s4  }
0x9e: {  	[timem:s8], [sflag:s22] =	dma.local [hbm:s6], s20  }
0x9f: {  	_ =	swait.ge [sflag:s22], s20  }
0xa0: {  	s5 =	ssub.s32 $0x0, s20;
	[sflag:s22] =	ssyncset.done $0x0  }
0xa1: {  	[sflag:s22] =	ssyncadd.s32 s5;
	_ =	sdelay $0x1  }
0xa2: {  	s23 =	simm.s32 $0x1B8B  }
0xa3: {  	_ =	swait.ge [sflag:s23], $0x1  }
0xa4: {  	[sflag:s23] =	ssyncset.done $0x0  }
0xa5: {  	s25 =	simm.s32 $0x1B8E;
	s24 =	sld [smem:$0x3FFE];
	[sflag:s23] =	ssyncadd.s32 $0xFFFFFFFF  }
0xa6: {  	s26 =	simm.s32 $execute0_lowered;
	[smem:$0x3FD2] =	sst s25  }
0xa7: {  	s6 =	sshll.u32 s26, $0x1;
	_ =	strace $0x80000046;
	[dreg:$0x1] =	wrdreg $0xFFFFFFFF  }
0xa8: {  	s28 =	simm.s32 $_size_execute0_lowered;
	s4 =	sadd.s32 s4, s6;
	[dreg:$0x0] =	wrdreg $0x0  }
0xa9: {  	s6 =	sshll.u32 s28, $0x1;
	[dreg:$0x2] =	wrdreg s4  }
0xaa: {  	[dreg:$0x3] =	wrdreg s6  }
0xab: {  	[dreg:$0x4] =	wrdreg $0xC0  }
0xac: {  	_ =	task [dreg:s8], $0x5FFFF  }
0xad: {  	[dreg:$0x1] =	wrdreg $0xFFFFFFFF  }
0xae: {  	[dreg:$0x0] =	wrdreg $0x60  }
0xaf: {  	[dreg:$0x2] =	wrdreg s24  }
0xb0: {  	[dreg:$0x3] =	wrdreg s2  }
0xb1: {  	[dreg:$0x4] =	wrdreg s18  }
0xb2: {  	[dreg:$0x5] =	wrdreg $0x9  }
0xb3: {  	_ =	task.clear_ibuf [dreg:s8], $0x6FFFF;
	_ =	strace $0x90000046  }
0xb4: {  	s29 =	simm.s32 $0x9;
	_ =	strace $0x80000048  }
0xb5: {  	_ =	swait.ge [sflag:s29], $0x1  }
0xb6: {  	[sflag:s29] =	ssyncadd.s32 $0xFFFFFFFF  }
0xb7: {  	_ =	strace $0x90000048  }
0xb8: {  	_ =	sfence  }
0xb9: {  	s30 =	sld [smem:$0x0];
	_ =	sdelay $0x2  }
0xba: {  	s31 =	sshll.u32 s1, $0xD;
	s1 =	sshrl.u32 s1, $0x2  }
0xbb: {  	s3 =	sand.u32 $0x4000, s31;
	s1 =	sadd.s32 s1, s30  }
0xbc: {  	s0 =	sor.u32 s3, s0;
	s1 =	sshll.u32 s1, $0x11  }
0xbd: {  	s0 =	sor.u32 s1, s0  }
0xbe: {  	s0 =	sadd.s32 $0x8F2B, s0  }
0xbf: {  	[sflag:s0] =	ssyncadd.remote.s32 $0x1  }
0xc0: {  	_ =	sfence.sel $0xFFFF  }
0xc1: {  	[dreg:$0x0] =	wrdreg $0xFFFFFFFF;
	(pc) =	sbr.abs _section_cstart, $3  }
0xc2: {  	[dreg:$0x1] =	wrdreg $0xFFFFFFFF  }
0xc3: {  	_ =	task.clear_ibuf [dreg:s8], $0x2FFFF;
	_ =	strace $0x9FFFFFFF  }
0xc4: {  	(tm) =	ssettm $0x7FFFFFFF  }
0xc5: {  	_ =	shalt  }
tec
execute0_lowered:
.L_overlay_start_1:
0x0: {  	(tag) =	ssettag $0x1  }
0x1: {  	s0 =	rddreg [dreg:$0x0]  }
0x2: {  	s1 =	rddreg [dreg:$0x2];
	s2 =	srdreg.scid  }
0x3: {  	s4 =	stileid.u32;
	s3 =	simm.s32 $0x0;
	s8 =	simm.s32 $0x80  }
0x4: {  	s10 =	simm.s32 $0x9;
	s12 =	simm.s32 $0x6400;
	s13 =	simm.s32 $0x6C00  }
0x5: {  	s15 =	simm.s32 $0x7400;
	s17 =	simm.s32 $0x7C00;
	s19 =	simm.s32 $0x8400  }
0x6: {  	s21 =	simm.s32 $0x8C00;
	s23 =	simm.s32 $0x9400;
	s24 =	simm.s32 $0x380  }
0x7: {  	s28 =	simm.s32 $0x2;
	s29 =	simm.s32 $0x3;
	s30 =	simm.s32 $0x4  }
0x8: {  	s31 =	simm.s32 $0x5;
	s9 =	simm.s32 $0xA400;
	s11 =	simm.s32 $0x0  }
0x9: {  	s2 =	sand.u32 $0x1, s2;
	s4 =	sshll.u32 s4, $0x8;
	[smem:$0x7FF] =	sst s3  }
0xa: {  	s5 =	sshll.u32 s2, $0x7;
	_ =	strace $0x80000047;
	s2 =	ssub.s32 $0x2, s2  }
0xb: {  	s6 =	sor.u32 s5, s4;
	s4 =	sadd.s32 $0xA00, s0;
	s25 =	sshrl.u32 s2, $0x1  }
0xc: {  	s5 =	sshrl.u32 s6, $0x3;
	s2 =	ssub.s32 s2, s25;
	s26 =	sshll.u32 s6, $0x1  }
0xd: {  	s25 =	simm.s32 $0x9C00;
	s0 =	sadd.s32 s5, s0;
	s6 =	sadd.s32 s1, s26  }
0xe: {  	s7 =	smax.u32 s2, $0x1;
	s26 =	simm.s32 $0x1;
	s1 =	simm.s32 $0x7  }
0xf: {  	s2 =	simm.s32 $0x8;
	s5 =	sadd.s32 $0x1F0A00, s0;
	s0 =	simm.s32 $0x6  }
.LBB2_1:
0x10: {  	s14 =	simm.s32 $0x1000  }
0x11: {  	[tilespmem:s3], [sflag:$0x9] =	stream.strided.gather [hbm4b:s5+s8], $0x6400, s14, s8, $0x38;
	[tilespmem:$0xAC10] =	vst v63  }
0x12: {  	_ =	swait.ge [sflag:s10], $0x6400  }
0x13: {  	[sflag:s10] =	ssyncset.done $0x0  }
0x14: {  	[sflag:s10] =	ssyncadd.s32 $0xFFFF9C00  }
0x15: {  	s16 =	simm.s32 $0xAC00;
	s22 =	rddreg [dreg:$0x1]  }
0x16: {  	[tilespmem:s16], [sflag:$0x9] =	stream.linear.gather [hbm4b:s22+s3], $0x10, $0x38;
	[tilespmem:$0xAC10] =	vst v63  }
0x17: {  	_ =	swait.ge [sflag:s10], $0x10  }
0x18: {  	[sflag:s10] =	ssyncset.done $0x0  }
0x19: {  	[sflag:s10] =	ssyncadd.s32 $0xFFFFFFF0  }
0x1a: {  	[tilespmem:s12], [sflag:$0x1] =	stream.indirect.gather [hbm4b:s4+s8], $0x10, s3, s8, $0xb8;
	[tilespmem:$0xAC10] =	vst v63  }
0x1b: {  	_ = 	snop  }
0x1c: {  	[tilespmem:s13], [sflag:$0x2] =	stream.indirect.gather [hbm4b:s4+s8], $0x10, s8, s8, $0xb8;
	[tilespmem:$0xAC10] =	vst v63  }
0x1d: {  	s16 =	simm.s32 $0x100  }
0x1e: {  	[tilespmem:s15], [sflag:$0x3] =	stream.indirect.gather [hbm4b:s4+s8], $0x10, s16, s8, $0xb8;
	[tilespmem:$0xAC10] =	vst v63  }
0x1f: {  	s18 =	simm.s32 $0x180  }
0x20: {  	[tilespmem:s17], [sflag:$0x4] =	stream.indirect.gather [hbm4b:s4+s8], $0x10, s18, s8, $0xb8;
	[tilespmem:$0xAC10] =	vst v63  }
0x21: {  	s20 =	simm.s32 $0x200  }
0x22: {  	[tilespmem:s19], [sflag:$0x5] =	stream.indirect.gather [hbm4b:s4+s8], $0x10, s20, s8, $0xb8;
	[tilespmem:$0xAC10] =	vst v63  }
0x23: {  	s22 =	simm.s32 $0x280  }
0x24: {  	[tilespmem:s21], [sflag:$0x6] =	stream.indirect.gather [hbm4b:s4+s8], $0x10, s22, s8, $0xb8;
	[tilespmem:$0xAC10] =	vst v63  }
0x25: {  	s16 =	simm.s32 $0x300  }
0x26: {  	[tilespmem:s23], [sflag:$0x7] =	stream.indirect.gather [hbm4b:s4+s8], $0x10, s16, s8, $0xb8;
	[tilespmem:$0xAC10] =	vst v63  }
0x27: {  	_ = 	snop  }
0x28: {  	[tilespmem:s25], [sflag:$0x8] =	stream.indirect.gather [hbm4b:s4+s8], $0x10, s24, s8, $0xb8;
	[tilespmem:$0xAC10] =	vst v63  }
0x29: {  	_ =	swait.ge [sflag:s26], $0x800  }
0x2a: {  	[sflag:s26] =	ssyncset.done $0x0  }
0x2b: {  	s18 =	simm.s32 $0x400;
	[sflag:s26] =	ssyncadd.s32 $0xFFFFF800  }
0x2c: {  	[tilespmem:s12], [sflag:$0x1] =	stream.indirect.gather.add.f32 [hbm:s4], $0x10, s18, s8, $0xb8;
	[tilespmem:$0xAC10] =	vst v63  }
0x2d: {  	_ =	swait.ge [sflag:s28], $0x800  }
0x2e: {  	[sflag:s28] =	ssyncset.done $0x0  }
0x2f: {  	s20 =	simm.s32 $0x480;
	[sflag:s28] =	ssyncadd.s32 $0xFFFFF800  }
0x30: {  	[tilespmem:s13], [sflag:$0x2] =	stream.indirect.gather.add.f32 [hbm:s4], $0x10, s20, s8, $0xb8;
	[tilespmem:$0xAC10] =	vst v63  }
0x31: {  	_ =	swait.ge [sflag:s29], $0x800  }
0x32: {  	[sflag:s29] =	ssyncset.done $0x0  }
0x33: {  	s22 =	simm.s32 $0x500;
	[sflag:s29] =	ssyncadd.s32 $0xFFFFF800  }
0x34: {  	[tilespmem:s15], [sflag:$0x3] =	stream.indirect.gather.add.f32 [hbm:s4], $0x10, s22, s8, $0xb8;
	[tilespmem:$0xAC10] =	vst v63  }
0x35: {  	_ =	swait.ge [sflag:s30], $0x800  }
0x36: {  	[sflag:s30] =	ssyncset.done $0x0  }
0x37: {  	s16 =	simm.s32 $0x580;
	[sflag:s30] =	ssyncadd.s32 $0xFFFFF800  }
0x38: {  	[tilespmem:s17], [sflag:$0x4] =	stream.indirect.gather.add.f32 [hbm:s4], $0x10, s16, s8, $0xb8;
	[tilespmem:$0xAC10] =	vst v63  }
0x39: {  	_ =	swait.ge [sflag:s31], $0x800  }
0x3a: {  	[sflag:s31] =	ssyncset.done $0x0  }
0x3b: {  	s18 =	simm.s32 $0x600;
	[sflag:s31] =	ssyncadd.s32 $0xFFFFF800  }
0x3c: {  	[tilespmem:s19], [sflag:$0x5] =	stream.indirect.gather.add.f32 [hbm:s4], $0x10, s18, s8, $0xb8;
	[tilespmem:$0xAC10] =	vst v63  }
0x3d: {  	_ =	swait.ge [sflag:s0], $0x800  }
0x3e: {  	[sflag:s0] =	ssyncset.done $0x0  }
0x3f: {  	s20 =	simm.s32 $0x680;
	[sflag:s0] =	ssyncadd.s32 $0xFFFFF800  }
0x40: {  	[tilespmem:s21], [sflag:$0x6] =	stream.indirect.gather.add.f32 [hbm:s4], $0x10, s20, s8, $0xb8;
	[tilespmem:$0xAC10] =	vst v63  }
0x41: {  	_ =	swait.ge [sflag:s1], $0x800  }
0x42: {  	[sflag:s1] =	ssyncset.done $0x0  }
0x43: {  	s22 =	simm.s32 $0x700;
	[sflag:s1] =	ssyncadd.s32 $0xFFFFF800  }
0x44: {  	[tilespmem:s23], [sflag:$0x7] =	stream.indirect.gather.add.f32 [hbm:s4], $0x10, s22, s8, $0xb8;
	[tilespmem:$0xAC10] =	vst v63  }
0x45: {  	_ =	swait.ge [sflag:s2], $0x800  }
0x46: {  	[sflag:s2] =	ssyncset.done $0x0  }
0x47: {  	s14 =	simm.s32 $0x1000;
	s16 =	simm.s32 $0x780;
	[sflag:s2] =	ssyncadd.s32 $0xFFFFF800  }
.LBB2_2:
0x48: {  	[tilespmem:s25], [sflag:$0x8] =	stream.indirect.gather.add.f32 [hbm:s4], $0x10, s16, s8, $0xb8;
	[tilespmem:$0xAC10] =	vst v63  }
0x49: {  	s16 =	smov.u32 s14  }
0x4a: {  	p0 =	sne.s32 s14, $0x17000;
	s14 =	sadd.s32 $0x1000, s14;
	_ =	swait.ge [sflag:s26], $0x800  }
0x4b: {  	s16 =	sshra.s32 s16, $0x2;
	[sflag:s26] =	ssyncset.done $0x0  }
0x4c: {  	s18 =	sadd.s32 $0x400, s16;
	[sflag:s26] =	ssyncadd.s32 $0xFFFFF800  }
0x4d: {  	[tilespmem:s12], [sflag:$0x1] =	stream.indirect.gather.add.f32 [hbm:s4], $0x10, s18, s8, $0xb8;
	[tilespmem:$0xAC10] =	vst v63  }
0x4e: {  	_ =	swait.ge [sflag:s28], $0x800  }
0x4f: {  	[sflag:s28] =	ssyncset.done $0x0  }
0x50: {  	s18 =	sadd.s32 $0x480, s16;
	[sflag:s28] =	ssyncadd.s32 $0xFFFFF800  }
0x51: {  	[tilespmem:s13], [sflag:$0x2] =	stream.indirect.gather.add.f32 [hbm:s4], $0x10, s18, s8, $0xb8;
	[tilespmem:$0xAC10] =	vst v63  }
0x52: {  	_ =	swait.ge [sflag:s29], $0x800  }
0x53: {  	[sflag:s29] =	ssyncset.done $0x0  }
0x54: {  	s18 =	sadd.s32 $0x500, s16;
	[sflag:s29] =	ssyncadd.s32 $0xFFFFF800  }
0x55: {  	[tilespmem:s15], [sflag:$0x3] =	stream.indirect.gather.add.f32 [hbm:s4], $0x10, s18, s8, $0xb8;
	[tilespmem:$0xAC10] =	vst v63  }
0x56: {  	_ =	swait.ge [sflag:s30], $0x800  }
0x57: {  	[sflag:s30] =	ssyncset.done $0x0  }
0x58: {  	s18 =	sadd.s32 $0x580, s16;
	[sflag:s30] =	ssyncadd.s32 $0xFFFFF800  }
0x59: {  	[tilespmem:s17], [sflag:$0x4] =	stream.indirect.gather.add.f32 [hbm:s4], $0x10, s18, s8, $0xb8;
	[tilespmem:$0xAC10] =	vst v63  }
0x5a: {  	_ =	swait.ge [sflag:s31], $0x800  }
0x5b: {  	[sflag:s31] =	ssyncset.done $0x0  }
0x5c: {  	s18 =	sadd.s32 $0x600, s16;
	[sflag:s31] =	ssyncadd.s32 $0xFFFFF800  }
0x5d: {  	[tilespmem:s19], [sflag:$0x5] =	stream.indirect.gather.add.f32 [hbm:s4], $0x10, s18, s8, $0xb8;
	[tilespmem:$0xAC10] =	vst v63  }
0x5e: {  	_ =	swait.ge [sflag:s0], $0x800  }
0x5f: {  	[sflag:s0] =	ssyncset.done $0x0  }
0x60: {  	s18 =	sadd.s32 $0x680, s16;
	[sflag:s0] =	ssyncadd.s32 $0xFFFFF800  }
0x61: {  	[tilespmem:s21], [sflag:$0x6] =	stream.indirect.gather.add.f32 [hbm:s4], $0x10, s18, s8, $0xb8;
	[tilespmem:$0xAC10] =	vst v63  }
0x62: {  	_ =	swait.ge [sflag:s1], $0x800  }
0x63: {  	[sflag:s1] =	ssyncset.done $0x0  }
.Ltmp0:
0x64: {  	s18 =	sadd.s32 $0x700, s16;
	[sflag:s1] =	ssyncadd.s32 $0xFFFFF800;
	(pc) =	sbr.rel @p0 .LBB2_2-.Ltmp0, $4  }
0x65: {  	[tilespmem:s23], [sflag:$0x7] =	stream.indirect.gather.add.f32 [hbm:s4], $0x10, s18, s8, $0xb8;
	[tilespmem:$0xAC10] =	vst v63  }
0x66: {  	_ =	swait.ge [sflag:s2], $0x800  }
0x67: {  	[sflag:s2] =	ssyncset.done $0x0  }
0x68: {  	s16 =	sadd.s32 $0x780, s16;
	[sflag:s2] =	ssyncadd.s32 $0xFFFFF800  }
0x69: {  	[tilespmem:s25], [sflag:$0x8] =	stream.indirect.gather.add.f32 [hbm:s4], $0x10, s16, s8, $0xb8;
	[tilespmem:$0xAC10] =	vst v63  }
0x6a: {  	_ =	swait.ge [sflag:s26], $0x800  }
0x6b: {  	[sflag:s26] =	ssyncset.done $0x0  }
0x6c: {  	[sflag:s26] =	ssyncadd.s32 $0xFFFFF800  }
0x6d: {  	_ =	swait.ge [sflag:s28], $0x800  }
0x6e: {  	[sflag:s28] =	ssyncset.done $0x0  }
0x6f: {  	[sflag:s28] =	ssyncadd.s32 $0xFFFFF800  }
0x70: {  	_ =	swait.ge [sflag:s29], $0x800  }
0x71: {  	[sflag:s29] =	ssyncset.done $0x0  }
0x72: {  	[sflag:s29] =	ssyncadd.s32 $0xFFFFF800  }
0x73: {  	_ =	swait.ge [sflag:s30], $0x800  }
0x74: {  	[sflag:s30] =	ssyncset.done $0x0  }
0x75: {  	[sflag:s30] =	ssyncadd.s32 $0xFFFFF800  }
0x76: {  	_ =	swait.ge [sflag:s31], $0x800  }
0x77: {  	[sflag:s31] =	ssyncset.done $0x0  }
0x78: {  	[sflag:s31] =	ssyncadd.s32 $0xFFFFF800  }
0x79: {  	_ =	swait.ge [sflag:s0], $0x800  }
0x7a: {  	[sflag:s0] =	ssyncset.done $0x0  }
0x7b: {  	[sflag:s0] =	ssyncadd.s32 $0xFFFFF800  }
0x7c: {  	_ =	swait.ge [sflag:s1], $0x800  }
0x7d: {  	[sflag:s1] =	ssyncset.done $0x0  }
0x7e: {  	[sflag:s1] =	ssyncadd.s32 $0xFFFFF800  }
0x7f: {  	_ =	swait.ge [sflag:s2], $0x800  }
0x80: {  	[sflag:s2] =	ssyncset.done $0x0  }
0x81: {  	s16 =	simm.s32 $0x0;
	[sflag:s2] =	ssyncadd.s32 $0xFFFFF800  }
0x82: {  	v1 =	vld [tilespmem:s16+$0x6400]  }
0x83: {  	v2 =	vld [tilespmem:s16+$0x6C00];
	_ =	sdelay $0x1  }
0x84: {  	v3 =	vld [tilespmem:s16+$0x7400]  }
0x85: {  	v0 =	vld [tilespmem:$0xAC00]  }
0x86: {  	s14 =	simm.s32 $0x10;
	v4 =	vld [tilespmem:s16+$0x7C00]  }
0x87: {  	v5 =	vld [tilespmem:s14+$0x6400];
	v1 =	vadd.f32 v2, v1  }
0x88: {  	v2 =	vld [tilespmem:s16+$0x8400]  }
0x89: {  	v6 =	vld [tilespmem:s14+$0x6C00];
	v1 =	vadd.f32 v3, v1  }
0x8a: {  	v7 =	vld [tilespmem:s16+$0x8C00]  }
0x8b: {  	v8 =	vld [tilespmem:s16+$0x9400];
	v1 =	vadd.f32 v4, v1  }
0x8c: {  	v9 =	vld [tilespmem:s14+$0x7400]  }
0x8d: {  	v3 =	vld [tilespmem:s16+$0x9C00];
	v4 =	vadd.f32 v2, v1  }
0x8e: {  	s18 =	simm.s32 $0x20;
	v2 =	vld [tilespmem:s14+$0x7C00]  }
0x8f: {  	v6 =	vadd.f32 v6, v5;
	v5 =	vld [tilespmem:s18+$0x6C00];
	v7 =	vadd.f32 v7, v4  }
0x90: {  	v1 =	vld [tilespmem:s14+$0x8400]  }
0x91: {  	s20 =	simm.s32 $0xC0;
	v6 =	vadd.f32 v9, v6;
	v4 =	vld [tilespmem:s18+$0x6400];
	v7 =	vadd.f32 v8, v7  }
.LBB2_4:
0x92: {  	p0 =	sne.s32 s20, $0x1FC0;
	v8 =	vld [tilespmem:s14+$0x8C00];
	s22 =	smov.u32 s18  }
0x93: {  	v2 =	vadd.f32 v2, v6;
	v9 =	vld [tilespmem:s14+$0x9400];
	v6 =	vadd.f32 v3, v7  }
0x94: {  	v7 =	vld [tilespmem:s22+$0x7400]  }
.Ltmp1:
0x95: {  	v10 =	vadd.f32 v1, v2;
	v3 =	vld [tilespmem:s14+$0x9C00];
	v6 =	vmul.f32 $4.999999890e-03, v6;
	(pc) =	sbr.rel @p0 .LBB2_4-.Ltmp1, $4  }
0x96: {  	v11 =	vadd.f32 v5, v4;
	v2 =	vld [tilespmem:s22+$0x7C00]  }
0x97: {  	s18 =	sshra.s32 s20, $0x2;
	v1 =	vld [tilespmem:s22+$0x8400];
	v8 =	vadd.f32 v8, v10;
	v10 =	vadd.f32 v6, v0  }
0x98: {  	v4 =	vld [tilespmem:s18+$0x6400]  }
0x99: {  	s20 =	sadd.s32 $0x40, s20;
	v5 =	vld [tilespmem:s18+$0x6C00];
	v6 =	vadd.f32 v7, v11;
	v7 =	vadd.f32 v9, v8;
	[tilespmem:s16+$0xA400] =	vst v10;
	s16 =	smov.u32 s14;
	s14 =	smov.u32 s22  }
0x9a: {  	_ = 	snop  }
0x9b: {  	v3 =	vadd.f32 v3, v7  }
0x9c: {  	v59 =	vld [tilespmem:s18+$0x7400]  }
0x9d: {  	v8 =	vld [tilespmem:s14+$0x8C00];
	v3 =	vmul.f32 $4.999999890e-03, v3  }
0x9e: {  	v10 =	vld [tilespmem:s18+$0x7C00]  }
0x9f: {  	v9 =	vld [tilespmem:s14+$0x9400];
	v4 =	vadd.f32 v5, v4;
	v3 =	vadd.f32 v3, v0  }
0xa0: {  	v60 =	vld [tilespmem:s18+$0x8400]  }
0xa1: {  	v11 =	vld [tilespmem:s14+$0x9C00];
	v4 =	vadd.f32 v59, v4;
	[tilespmem:s16+$0xA400] =	vst v3  }
0xa2: {  	v2 =	vadd.f32 v2, v6;
	v3 =	vld [tilespmem:s18+$0x8C00]  }
0xa3: {  	v4 =	vadd.f32 v10, v4  }
0xa4: {  	v1 =	vadd.f32 v1, v2;
	v61 =	vld [tilespmem:s18+$0x9400]  }
0xa5: {  	v4 =	vadd.f32 v60, v4  }
0xa6: {  	v1 =	vadd.f32 v8, v1;
	v62 =	vld [tilespmem:s18+$0x9C00]  }
0xa7: {  	v3 =	vadd.f32 v3, v4  }
0xa8: {  	v1 =	vadd.f32 v9, v1  }
0xa9: {  	v2 =	vadd.f32 v61, v3  }
0xaa: {  	v1 =	vadd.f32 v11, v1  }
0xab: {  	v2 =	vadd.f32 v62, v2  }
0xac: {  	v1 =	vmul.f32 $4.999999890e-03, v1  }
0xad: {  	v2 =	vmul.f32 $4.999999890e-03, v2  }
0xae: {  	v1 =	vadd.f32 v1, v0  }
0xaf: {  	s11 =	sadd.s32 $0x1, s11;
	v63 =	vadd.f32 v2, v0  }
0xb0: {  	p0 =	sne.s32 s11, s7;
	[tilespmem:s14+$0xA400] =	vst v1  }
.Ltmp2:
0xb1: {  	[tilespmem:s18+$0xA400] =	vst v63;
	(pc) =	sbr.rel @p0 .LBB2_1-.Ltmp2, $4  }
0xb2: {  	[hbm4b:s6+s3] =	stream.linear.scatter [tilespmem:s9], [sflag:$0x9], $0x800, $0x38;
	[tilespmem:$0xAC10] =	vst v63  }
0xb3: {  	_ =	swait.ge [sflag:s10], $0x800  }
0xb4: {  	[sflag:s10] =	ssyncset.done $0x0  }
0xb5: {  	[sflag:s10] =	ssyncadd.s32 $0xFFFFF800  }
0xb6: {  	_ =	sfence.sel $0x180000  }
0xb7: {  	[bflag:$0x0] =	sbarrier.arrive $0xFFFF  }
0xb8: {  	_ =	strace $0x90000047  }
0xb9: {  	s0 =	stileid.u32;
	[bflag:$0x2] =	sbarrier.arrive $0xFFFF  }
0xba: {  	p0 =	sne.s32 s0, $0x0;
	s0 =	rddreg [dreg:$0x3]  }
0xbb: {  	s0 =	sadd.s32 @!p0 $0x100000, s0  }
0xbc: {  	[sflag:s0] =	ssyncadd.tile.s32 @!p0 $0x1;
	_ =	shalt  }
.Lfunc_end2:
_tile_overlayer_lowered:
.L_overlay_start_2:
0xbd: {  	(tag) =	ssettag $0x2  }
0xbe: {  	s0 =	rddreg [dreg:$0x0];
	s2 =	stileid.u32  }
0xbf: {  	s1 =	rddreg [dreg:$0x1];
	p0 =	sne.s32 s2, $0x0  }
0xc0: {  	s3 =	rddreg [dreg:$0x2];
	[bflag:$0x3] =	sbarrier.arrive $0xFFFF;
	s2 =	simm.s32 @!p0 $0x1C09  }
0xc1: {  	[timem:s3], [sflag:s2] =	dma.local @!p0 [hbm:s0], s1  }
0xc2: {  	s0 =	simm.s32 @!p0 $0x9  }
0xc3: {  	_ =	swait.ge @!p0 [sflag:s0], s1  }
0xc4: {  	s1 =	ssub.s32 @!p0 $0x0, s1;
	[sflag:s0] =	ssyncset.done @!p0 $0x0  }
0xc5: {  	[sflag:s0] =	ssyncadd.s32 @!p0 s1  }
0xc6: {  	[bflag:$0x3] =	sbarrier.arrive $0xFFFF  }
0xc7: {  	_ =	shalt  }

</sc_bundles>
